<compile_context>
chip_gen: v7x
topology: tpu7x:2x2x1
jax: 0.10.2.dev20260603
libtpu: 0.0.44.dev20260713+nightly
codegen_flags: <defaults>
</compile_context>

<pallas_src>
import functools

import jax
import jax.numpy as jnp
from jax import lax
from jax.experimental import pallas as pl
from jax.experimental.pallas import tpu as pltpu
from jax.experimental.pallas import tpu_sc as plsc

_K = 8
_BPB = 8
_EPB = 8


def _router_kernel(x_ref, fc1W_ref, fc1b_ref, gateWT_ref, gatebT_ref,
                   h_ref, idx_ref, probs_ref):
    S = x_ref.shape[1]
    E = gateWT_ref.shape[0]
    g = pl.program_id(0)
    pieces = []
    for bi in range(_BPB):
        hb = jnp.dot(x_ref[bi], fc1W_ref[...],
                     preferred_element_type=jnp.float32) + fc1b_ref[...]
        h_ref[bi] = jnp.pad(hb, ((0, 0), (0, 96)))
        pieces.append(lax.dot_general(
            gateWT_ref[...], hb, (((1,), (1,)), ((), ())),
            preferred_element_type=jnp.float32))
    lT = jnp.concatenate(pieces, axis=0)
    lT = lT + jnp.concatenate([gatebT_ref[...]] * _BPB, axis=0)
    m = jnp.max(lT, axis=1, keepdims=True)
    ex = jnp.exp(lT - m)
    gpT = ex / jnp.sum(ex, axis=1, keepdims=True)
    lane = lax.broadcasted_iota(jnp.int32, gpT.shape, 1).astype(jnp.float32)
    work = gpT
    idx_cols = []
    probs_cols = []
    for _ in range(_K):
        mk = jnp.max(work, axis=1, keepdims=True)
        ik = jnp.min(jnp.where(work == mk, lane, float(S)),
                     axis=1, keepdims=True)
        sel = (lane == ik)
        idx_cols.append(ik)
        probs_cols.append(mk)
        work = jnp.where(sel, 0.0, work)
    probs_ref[...] = jnp.concatenate(probs_cols, axis=1)
    tok = jnp.concatenate(idx_cols, axis=1).astype(jnp.int32)
    bi_vec = lax.broadcasted_iota(jnp.int32, tok.shape, 0) // E
    idx_ref[...] = tok + S * (g * _BPB + bi_vec)


def _expert_kernel(ginp_ref, probs_ref, eW_ref, eb_ref, fc2W_ref, fc2b_ref,
                   fc3W_ref, fc3b_ref, W4r_ref, fc4b_ref,
                   fc5W_ref, fc5b_ref, fc6W_ref, fc6b_ref,
                   out_ref, acc_ref):
    g = pl.program_id(0)
    KW = 32 * _K
    rep = (lax.broadcasted_iota(jnp.int32, (_K, KW), 1) // 32
           == lax.broadcasted_iota(jnp.int32, (_K, KW), 0)).astype(jnp.float32)
    contrib = None
    for j in range(_EPB):
        probs = probs_ref[:, j, :]
        w = jnp.dot(probs, rep, preferred_element_type=jnp.float32)
        raw = ginp_ref[:, j, :]
        g256 = jnp.concatenate(
            [raw[:, k * 128:k * 128 + 32] for k in range(_K)], axis=1)
        inp = jnp.concatenate([g256 * w, probs], axis=1)
        p = jnp.sum(probs, axis=1, keepdims=True)
        out = jnp.dot(inp, eW_ref[j],
                      preferred_element_type=jnp.float32) + eb_ref[j]
        out = out * p
        moe = jnp.maximum(jnp.concatenate([out, probs], axis=1), 0.0)
        y = jnp.maximum(jnp.dot(moe, fc2W_ref[...],
                                preferred_element_type=jnp.float32)
                        + fc2b_ref[...], 0.0)
        y = jnp.maximum(jnp.dot(y, fc3W_ref[...],
                                preferred_element_type=jnp.float32)
                        + fc3b_ref[...], 0.0)
        c = jnp.dot(y, W4r_ref[j], preferred_element_type=jnp.float32)
        contrib = c if contrib is None else contrib + c

    @pl.when(g == 0)
    def _():
        acc_ref[...] = contrib

    @pl.when(g != 0)
    def _():
        acc_ref[...] = acc_ref[...] + contrib

    @pl.when(g == pl.num_programs(0) - 1)
    def _():
        z = jnp.maximum(acc_ref[...] + fc4b_ref[...], 0.0)
        z = jnp.maximum(jnp.dot(z, fc5W_ref[...],
                                preferred_element_type=jnp.float32)
                        + fc5b_ref[...], 0.0)
        out_ref[...] = jnp.dot(z, fc6W_ref[...],
                               preferred_element_type=jnp.float32) + fc6b_ref[...]


def _sc_gather(h_flat, idx_flat):
    N = idx_flat.shape[0]
    D = h_flat.shape[1]
    info = plsc.get_sparse_core_info()
    NW = info.num_cores * info.num_subcores
    CH = 128
    n_per_w = N // NW
    n_chunks = n_per_w // CH
    mesh = plsc.VectorSubcoreMesh(core_axis_name="c", subcore_axis_name="s")

    @functools.partial(
        pl.kernel, mesh=mesh,
        out_type=jax.ShapeDtypeStruct((N, D), jnp.float32),
        scratch_types=[
            pltpu.VMEM((CH,), jnp.int32),
            pltpu.VMEM((CH, D), jnp.float32),
            pltpu.SemaphoreType.DMA,
        ],
    )
    def k(h_hbm, idx_hbm, out_hbm, idx_v, rows_v, sem):
        wid = lax.axis_index("s") * info.num_cores + lax.axis_index("c")
        base = wid * n_per_w
        for c in range(n_chunks):
            off = base + c * CH
            pltpu.sync_copy(idx_hbm.at[pl.ds(off, CH)], idx_v)
            pltpu.async_copy(h_hbm.at[idx_v], rows_v, sem).wait()
            pltpu.sync_copy(rows_v, out_hbm.at[pl.ds(off, CH)])

    return k(h_flat, idx_flat)


@jax.jit
def kernel(x, fc1_W, fc1_b, gate_W, gate_b, expert_W, expert_b,
           fc2_W, fc2_b, fc3_W, fc3_b, fc4_W, fc4_b,
           fc5_W, fc5_b, fc6_W, fc6_b):
    B, S, TOK = x.shape
    E = gate_W.shape[1]
    IW = 32 * _K + _K
    O = expert_W.shape[-1]

    h, idx, probs = pl.pallas_call(
        _router_kernel,
        grid=(B // _BPB,),
        in_specs=[
            pl.BlockSpec((_BPB, S, TOK), lambda b: (b, 0, 0)),
            pl.BlockSpec((TOK, 32), lambda b: (0, 0)),
            pl.BlockSpec((1, 32), lambda b: (0, 0)),
            pl.BlockSpec((E, 32), lambda b: (0, 0)),
            pl.BlockSpec((E, 1), lambda b: (0, 0)),
        ],
        out_specs=[
            pl.BlockSpec((_BPB, S, 128), lambda b: (b, 0, 0)),
            pl.BlockSpec((_BPB * E, _K), lambda b: (b, 0)),
            pl.BlockSpec((_BPB * E, _K), lambda b: (b, 0)),
        ],
        out_shape=[
            jax.ShapeDtypeStruct((B, S, 128), jnp.float32),
            jax.ShapeDtypeStruct((B * E, _K), jnp.int32),
            jax.ShapeDtypeStruct((B * E, _K), jnp.float32),
        ],
    )(x, fc1_W, fc1_b.reshape(1, 32), gate_W.T, gate_b.reshape(E, 1))

    gathered = _sc_gather(h.reshape(B * S, 128), idx.reshape(B * E * _K))
    ginp = gathered.reshape(B, E, _K * 128)
    probs_bek = probs.reshape(B, E, _K)

    W4r = fc4_W.reshape(E, 128, 128)
    out = pl.pallas_call(
        _expert_kernel,
        grid=(E // _EPB,),
        in_specs=[
            pl.BlockSpec((B, _EPB, _K * 128), lambda g: (0, g, 0)),
            pl.BlockSpec((B, _EPB, _K), lambda g: (0, g, 0)),
            pl.BlockSpec((_EPB, IW, O), lambda g: (g, 0, 0)),
            pl.BlockSpec((_EPB, 1, O), lambda g: (g, 0, 0)),
            pl.BlockSpec((32, 128), lambda g: (0, 0)),
            pl.BlockSpec((1, 128), lambda g: (0, 0)),
            pl.BlockSpec((128, 128), lambda g: (0, 0)),
            pl.BlockSpec((1, 128), lambda g: (0, 0)),
            pl.BlockSpec((_EPB, 128, 128), lambda g: (g, 0, 0)),
            pl.BlockSpec((1, 128), lambda g: (0, 0)),
            pl.BlockSpec((128, 128), lambda g: (0, 0)),
            pl.BlockSpec((1, 128), lambda g: (0, 0)),
            pl.BlockSpec((128, 10), lambda g: (0, 0)),
            pl.BlockSpec((1, 10), lambda g: (0, 0)),
        ],
        out_specs=pl.BlockSpec((B, 10), lambda g: (0, 0)),
        out_shape=jax.ShapeDtypeStruct((B, 10), jnp.float32),
        scratch_shapes=[pltpu.VMEM((B, 128), jnp.float32)],
    )(ginp, probs_bek, expert_W, expert_b.reshape(E, 1, O), fc2_W,
      fc2_b.reshape(1, 128), fc3_W, fc3_b.reshape(1, 128), W4r,
      fc4_b.reshape(1, 128), fc5_W, fc5_b.reshape(1, 128),
      fc6_W, fc6_b.reshape(1, 10))
    return out

# --- scband reference (transcript-rebuilt; emitter-appended) ---
"""Pipeline reference for scband-moe-rl-86449101734487 (READ-ONLY COPY).

The authoritative reference and input builder live on the scoring server;
editing this copy changes nothing except your own understanding.
"""

import jax, jax.numpy as jnp
import numpy as np

B = 64
S = 256
TOK = 1728
E = 64
K = 8


def setup_inputs(seed: int = 0) -> dict:
    key = jax.random.key(seed)
    ks = jax.random.split(key, 10)
    def nrm(k, shape, scale=0.05):
        return jax.random.normal(k, shape, dtype=jnp.float32) * scale
    return {
        "x": jax.random.normal(ks[0], (B, S, TOK), dtype=jnp.float32),
        "fc1_W": nrm(ks[1], (TOK, 32)),
        "fc1_b": jnp.zeros((32,), jnp.float32),
        "gate_W": nrm(ks[2], (32, E)),
        "gate_b": jnp.zeros((E,), jnp.float32),
        "expert_W": nrm(ks[3], (E, 32 * K + K, 32 - K)),
        "expert_b": jnp.zeros((E, 32 - K), jnp.float32),
        "fc2_W": nrm(ks[4], (32, 128)),
        "fc2_b": jnp.zeros((128,), jnp.float32),
        "fc3_W": nrm(ks[5], (128, 128)),
        "fc3_b": jnp.zeros((128,), jnp.float32),
        "fc4_W": nrm(ks[6], (128 * E, 128)),
        "fc4_b": jnp.zeros((128,), jnp.float32),
        "fc5_W": nrm(ks[7], (128, 128)),
        "fc5_b": jnp.zeros((128,), jnp.float32),
        "fc6_W": nrm(ks[8], (128, 10)),
        "fc6_b": jnp.zeros((10,), jnp.float32),
    }


def reference(x, fc1_W, fc1_b, gate_W, gate_b, expert_W, expert_b,
              fc2_W, fc2_b, fc3_W, fc3_b, fc4_W, fc4_b,
              fc5_W, fc5_b, fc6_W, fc6_b):
    Bc = x.shape[0]
    Sc = x.shape[1]
    # fc1: tokenSize -> 32
    h = x.reshape(Bc, Sc, -1) @ fc1_W + fc1_b                    # [B,S,32]
    # gate + softmax over tokens (dim=-2 as in torch)
    logits = h @ gate_W + gate_b                                  # [B,S,E]
    gp = jax.nn.softmax(logits, axis=-2)                          # [B,S,E]
    # top-k tokens per expert (torch.topk over dim=-2)
    gpt = jnp.transpose(gp, (0, 2, 1))                            # [B,E,S]
    _, idx = jax.lax.top_k(gpt, K)                                # [B,E,K]
    idx_t = jnp.transpose(idx, (0, 2, 1))                         # [B,K,E]
    bi = jnp.arange(Bc)[:, None, None]
    ei = jnp.arange(E)[None, None, :]
    gathered = h[bi, idx_t]                                       # [B,K,E,32]
    probs = gp[bi, idx_t, ei]                                     # [B,K,E]
    inp = gathered * probs[..., None]                             # [B,K,E,32]
    inp = jnp.transpose(inp, (0, 2, 1, 3)).reshape(Bc, E, K * 32) # [B,E,K*32]
    probs_e = jnp.transpose(probs, (0, 2, 1))                     # [B,E,K]
    inp_full = jnp.concatenate([inp, probs_e], axis=-1)           # [B,E,K*32+K]
    out = jnp.einsum('bei,eio->beo', inp_full, expert_W) + expert_b  # [B,E,32-K]
    p = probs_e.sum(axis=-1, keepdims=True)                       # [B,E,1]
    out = out * p
    moe_out = jnp.concatenate([out, probs_e], axis=-1)            # [B,E,32]
    y = jax.nn.relu(moe_out)
    y = jax.nn.relu(y @ fc2_W + fc2_b)                            # [B,E,128]
    y = jax.nn.relu(y @ fc3_W + fc3_b)                            # [B,E,128]
    y = y.reshape(Bc, -1)                                         # [B,E*128]
    y = jax.nn.relu(y @ fc4_W + fc4_b)
    y = jax.nn.relu(y @ fc5_W + fc5_b)
    y = y @ fc6_W + fc6_b                                         # [B,10]
    return y

if __name__ == "__main__":
    import jax
    _d = setup_inputs()
    print(jax.jit(kernel)(*tuple(_d.values())))

</pallas_src>

<mosaic_0001>
#map = affine_map<(d0, d1) -> (0, 0)>
#map1 = affine_map<(d0, d1) -> (0)>
module attributes {stable_mosaic.version = 14 : i64} {
  func.func @k(%arg0: i32, %arg1: i32, %arg2: memref<16384x128xf32, #tpu.memory_space<hbm>>, %arg3: memref<32768xi32, #tpu.memory_space<hbm>>, %arg4: memref<32768x128xf32, #tpu.memory_space<hbm>>, %arg5: memref<128xi32, #tpu.memory_space<vmem>>, %arg6: memref<128x128xf32, #tpu.memory_space<vmem>>, %arg7: memref<!tpu.dma_semaphore, #tpu.memory_space<semaphore_mem>>) attributes {dimension_semantics = [#tpu.dimension_semantics<core_parallel>, #tpu.dimension_semantics<subcore_parallel>], iteration_bounds = array<i64: 2, 16>, scalar_prefetch = 0 : i64, scratch_operands = 3 : i64, tpu.core_type = #tpu.core_type<sc_vector_subcore>, window_params = [{transform_indices = #map}, {transform_indices = #map1}, {transform_indices = #map}]} {
    %mul3A = arith.constant 2 : i32
    %mul3A_0 = arith.muli %arg1, %mul3A : i32
    %add3A = arith.addi %mul3A_0, %arg0 : i32
    %mul3A_1 = arith.constant 1024 : i32
    %mul3A_2 = arith.muli %add3A, %mul3A_1 : i32
    %add3A_3 = arith.constant 0 : i32
    %add3A_4 = arith.addi %mul3A_2, %add3A_3 : i32
    "tpu.region"() ({
      %run_scoped3A = tpu.sem_alloc : memref<!tpu.dma_semaphore, #tpu.memory_space<semaphore_mem>>
      %dma_start3A_65 = tpu.memref_slice %arg3[%add3A_4] : memref<32768xi32, #tpu.memory_space<hbm>> -> memref<128xi32, #tpu.memory_space<hbm>>
      %dma_start3A_66 = tpu.memref_slice %arg3[%add3A_4] : memref<32768xi32, #tpu.memory_space<hbm>> -> memref<128xi32, #tpu.memory_space<hbm>>
      tpu.enqueue_dma source(%dma_start3A_66 : memref<128xi32, #tpu.memory_space<hbm>>) target(%arg5 : memref<128xi32, #tpu.memory_space<vmem>>) target_semaphore(%run_scoped3A : memref<!tpu.dma_semaphore, #tpu.memory_space<semaphore_mem>>)
      %dma_wait3A_67 = tpu.memref_slice %arg3[%add3A_4] : memref<32768xi32, #tpu.memory_space<hbm>> -> memref<128xi32, #tpu.memory_space<hbm>>
      %dma_wait3A_68 = tpu.memref_slice %arg3[%add3A_4] : memref<32768xi32, #tpu.memory_space<hbm>> -> memref<128xi32, #tpu.memory_space<hbm>>
      tpu.wait_dma2 semaphore(%run_scoped3A : memref<!tpu.dma_semaphore, #tpu.memory_space<semaphore_mem>>) src(%dma_wait3A_68 : memref<128xi32, #tpu.memory_space<hbm>>) dst(%arg5 : memref<128xi32, #tpu.memory_space<vmem>>)
      tpu.yield
    }) : () -> ()
    %dma_start3A = arith.constant 0 : i32
    %dma_start3A_5 = arith.constant 0 : i32
    %dma_start3A_6 = tpu.memref_slice %arg2[%dma_start3A, %dma_start3A_5] : memref<16384x128xf32, #tpu.memory_space<hbm>> -> memref<16384x128xf32, #tpu.memory_space<hbm>>
    tpu.enqueue_indirect_dma source(%dma_start3A_6 : memref<16384x128xf32, #tpu.memory_space<hbm>>) target(%arg6 : memref<128x128xf32, #tpu.memory_space<vmem>>) offsets(%arg5 : memref<128xi32, #tpu.memory_space<vmem>>) semaphore(%arg7 : memref<!tpu.dma_semaphore, #tpu.memory_space<semaphore_mem>>)
    %dma_wait3A = arith.constant 0 : i32
    %dma_wait3A_7 = arith.constant 0 : i32
    %dma_wait3A_8 = tpu.memref_slice %arg2[%dma_wait3A, %dma_wait3A_7] : memref<16384x128xf32, #tpu.memory_space<hbm>> -> memref<16384x128xf32, #tpu.memory_space<hbm>>
    tpu.wait_indirect_dma semaphore(%arg7 : memref<!tpu.dma_semaphore, #tpu.memory_space<semaphore_mem>>) src(%dma_wait3A_8 : memref<16384x128xf32, #tpu.memory_space<hbm>>) dst(%arg6 : memref<128x128xf32, #tpu.memory_space<vmem>>)
    "tpu.region"() ({
      %run_scoped3A = tpu.sem_alloc : memref<!tpu.dma_semaphore, #tpu.memory_space<semaphore_mem>>
      %dma_start3A_65 = arith.constant 0 : i32
      %dma_start3A_66 = tpu.memref_slice %arg4[%add3A_4, %dma_start3A_65] : memref<32768x128xf32, #tpu.memory_space<hbm>> -> memref<128x128xf32, #tpu.memory_space<hbm>>
      %dma_start3A_67 = arith.constant 0 : i32
      %dma_start3A_68 = tpu.memref_slice %arg4[%add3A_4, %dma_start3A_67] : memref<32768x128xf32, #tpu.memory_space<hbm>> -> memref<128x128xf32, #tpu.memory_space<hbm>>
      tpu.enqueue_dma source(%arg6 : memref<128x128xf32, #tpu.memory_space<vmem>>) target(%dma_start3A_68 : memref<128x128xf32, #tpu.memory_space<hbm>>) target_semaphore(%run_scoped3A : memref<!tpu.dma_semaphore, #tpu.memory_space<semaphore_mem>>)
      %dma_wait3A_69 = arith.constant 0 : i32
      %dma_wait3A_70 = tpu.memref_slice %arg4[%add3A_4, %dma_wait3A_69] : memref<32768x128xf32, #tpu.memory_space<hbm>> -> memref<128x128xf32, #tpu.memory_space<hbm>>
      %dma_wait3A_71 = arith.constant 0 : i32
      %dma_wait3A_72 = tpu.memref_slice %arg4[%add3A_4, %dma_wait3A_71] : memref<32768x128xf32, #tpu.memory_space<hbm>> -> memref<128x128xf32, #tpu.memory_space<hbm>>
      tpu.wait_dma2 semaphore(%run_scoped3A : memref<!tpu.dma_semaphore, #tpu.memory_space<semaphore_mem>>) src(%arg6 : memref<128x128xf32, #tpu.memory_space<vmem>>) dst(%dma_wait3A_72 : memref<128x128xf32, #tpu.memory_space<hbm>>)
      tpu.yield
    }) : () -> ()
    %add3A_9 = arith.constant 128 : i32
    %add3A_10 = arith.addi %mul3A_2, %add3A_9 : i32
    "tpu.region"() ({
      %run_scoped3A = tpu.sem_alloc : memref<!tpu.dma_semaphore, #tpu.memory_space<semaphore_mem>>
      %dma_start3A_65 = tpu.memref_slice %arg3[%add3A_10] : memref<32768xi32, #tpu.memory_space<hbm>> -> memref<128xi32, #tpu.memory_space<hbm>>
      %dma_start3A_66 = tpu.memref_slice %arg3[%add3A_10] : memref<32768xi32, #tpu.memory_space<hbm>> -> memref<128xi32, #tpu.memory_space<hbm>>
      tpu.enqueue_dma source(%dma_start3A_66 : memref<128xi32, #tpu.memory_space<hbm>>) target(%arg5 : memref<128xi32, #tpu.memory_space<vmem>>) target_semaphore(%run_scoped3A : memref<!tpu.dma_semaphore, #tpu.memory_space<semaphore_mem>>)
      %dma_wait3A_67 = tpu.memref_slice %arg3[%add3A_10] : memref<32768xi32, #tpu.memory_space<hbm>> -> memref<128xi32, #tpu.memory_space<hbm>>
      %dma_wait3A_68 = tpu.memref_slice %arg3[%add3A_10] : memref<32768xi32, #tpu.memory_space<hbm>> -> memref<128xi32, #tpu.memory_space<hbm>>
      tpu.wait_dma2 semaphore(%run_scoped3A : memref<!tpu.dma_semaphore, #tpu.memory_space<semaphore_mem>>) src(%dma_wait3A_68 : memref<128xi32, #tpu.memory_space<hbm>>) dst(%arg5 : memref<128xi32, #tpu.memory_space<vmem>>)
      tpu.yield
    }) : () -> ()
    %dma_start3A_11 = arith.constant 0 : i32
    %dma_start3A_12 = arith.constant 0 : i32
    %dma_start3A_13 = tpu.memref_slice %arg2[%dma_start3A_11, %dma_start3A_12] : memref<16384x128xf32, #tpu.memory_space<hbm>> -> memref<16384x128xf32, #tpu.memory_space<hbm>>
    tpu.enqueue_indirect_dma source(%dma_start3A_13 : memref<16384x128xf32, #tpu.memory_space<hbm>>) target(%arg6 : memref<128x128xf32, #tpu.memory_space<vmem>>) offsets(%arg5 : memref<128xi32, #tpu.memory_space<vmem>>) semaphore(%arg7 : memref<!tpu.dma_semaphore, #tpu.memory_space<semaphore_mem>>)
    %dma_wait3A_14 = arith.constant 0 : i32
    %dma_wait3A_15 = arith.constant 0 : i32
    %dma_wait3A_16 = tpu.memref_slice %arg2[%dma_wait3A_14, %dma_wait3A_15] : memref<16384x128xf32, #tpu.memory_space<hbm>> -> memref<16384x128xf32, #tpu.memory_space<hbm>>
    tpu.wait_indirect_dma semaphore(%arg7 : memref<!tpu.dma_semaphore, #tpu.memory_space<semaphore_mem>>) src(%dma_wait3A_16 : memref<16384x128xf32, #tpu.memory_space<hbm>>) dst(%arg6 : memref<128x128xf32, #tpu.memory_space<vmem>>)
    "tpu.region"() ({
      %run_scoped3A = tpu.sem_alloc : memref<!tpu.dma_semaphore, #tpu.memory_space<semaphore_mem>>
      %dma_start3A_65 = arith.constant 0 : i32
      %dma_start3A_66 = tpu.memref_slice %arg4[%add3A_10, %dma_start3A_65] : memref<32768x128xf32, #tpu.memory_space<hbm>> -> memref<128x128xf32, #tpu.memory_space<hbm>>
      %dma_start3A_67 = arith.constant 0 : i32
      %dma_start3A_68 = tpu.memref_slice %arg4[%add3A_10, %dma_start3A_67] : memref<32768x128xf32, #tpu.memory_space<hbm>> -> memref<128x128xf32, #tpu.memory_space<hbm>>
      tpu.enqueue_dma source(%arg6 : memref<128x128xf32, #tpu.memory_space<vmem>>) target(%dma_start3A_68 : memref<128x128xf32, #tpu.memory_space<hbm>>) target_semaphore(%run_scoped3A : memref<!tpu.dma_semaphore, #tpu.memory_space<semaphore_mem>>)
      %dma_wait3A_69 = arith.constant 0 : i32
      %dma_wait3A_70 = tpu.memref_slice %arg4[%add3A_10, %dma_wait3A_69] : memref<32768x128xf32, #tpu.memory_space<hbm>> -> memref<128x128xf32, #tpu.memory_space<hbm>>
      %dma_wait3A_71 = arith.constant 0 : i32
      %dma_wait3A_72 = tpu.memref_slice %arg4[%add3A_10, %dma_wait3A_71] : memref<32768x128xf32, #tpu.memory_space<hbm>> -> memref<128x128xf32, #tpu.memory_space<hbm>>
      tpu.wait_dma2 semaphore(%run_scoped3A : memref<!tpu.dma_semaphore, #tpu.memory_space<semaphore_mem>>) src(%arg6 : memref<128x128xf32, #tpu.memory_space<vmem>>) dst(%dma_wait3A_72 : memref<128x128xf32, #tpu.memory_space<hbm>>)
      tpu.yield
    }) : () -> ()
    %add3A_17 = arith.constant 256 : i32
    %add3A_18 = arith.addi %mul3A_2, %add3A_17 : i32
    "tpu.region"() ({
      %run_scoped3A = tpu.sem_alloc : memref<!tpu.dma_semaphore, #tpu.memory_space<semaphore_mem>>
      %dma_start3A_65 = tpu.memref_slice %arg3[%add3A_18] : memref<32768xi32, #tpu.memory_space<hbm>> -> memref<128xi32, #tpu.memory_space<hbm>>
      %dma_start3A_66 = tpu.memref_slice %arg3[%add3A_18] : memref<32768xi32, #tpu.memory_space<hbm>> -> memref<128xi32, #tpu.memory_space<hbm>>
      tpu.enqueue_dma source(%dma_start3A_66 : memref<128xi32, #tpu.memory_space<hbm>>) target(%arg5 : memref<128xi32, #tpu.memory_space<vmem>>) target_semaphore(%run_scoped3A : memref<!tpu.dma_semaphore, #tpu.memory_space<semaphore_mem>>)
      %dma_wait3A_67 = tpu.memref_slice %arg3[%add3A_18] : memref<32768xi32, #tpu.memory_space<hbm>> -> memref<128xi32, #tpu.memory_space<hbm>>
      %dma_wait3A_68 = tpu.memref_slice %arg3[%add3A_18] : memref<32768xi32, #tpu.memory_space<hbm>> -> memref<128xi32, #tpu.memory_space<hbm>>
      tpu.wait_dma2 semaphore(%run_scoped3A : memref<!tpu.dma_semaphore, #tpu.memory_space<semaphore_mem>>) src(%dma_wait3A_68 : memref<128xi32, #tpu.memory_space<hbm>>) dst(%arg5 : memref<128xi32, #tpu.memory_space<vmem>>)
      tpu.yield
    }) : () -> ()
    %dma_start3A_19 = arith.constant 0 : i32
    %dma_start3A_20 = arith.constant 0 : i32
    %dma_start3A_21 = tpu.memref_slice %arg2[%dma_start3A_19, %dma_start3A_20] : memref<16384x128xf32, #tpu.memory_space<hbm>> -> memref<16384x128xf32, #tpu.memory_space<hbm>>
    tpu.enqueue_indirect_dma source(%dma_start3A_21 : memref<16384x128xf32, #tpu.memory_space<hbm>>) target(%arg6 : memref<128x128xf32, #tpu.memory_space<vmem>>) offsets(%arg5 : memref<128xi32, #tpu.memory_space<vmem>>) semaphore(%arg7 : memref<!tpu.dma_semaphore, #tpu.memory_space<semaphore_mem>>)
    %dma_wait3A_22 = arith.constant 0 : i32
    %dma_wait3A_23 = arith.constant 0 : i32
    %dma_wait3A_24 = tpu.memref_slice %arg2[%dma_wait3A_22, %dma_wait3A_23] : memref<16384x128xf32, #tpu.memory_space<hbm>> -> memref<16384x128xf32, #tpu.memory_space<hbm>>
    tpu.wait_indirect_dma semaphore(%arg7 : memref<!tpu.dma_semaphore, #tpu.memory_space<semaphore_mem>>) src(%dma_wait3A_24 : memref<16384x128xf32, #tpu.memory_space<hbm>>) dst(%arg6 : memref<128x128xf32, #tpu.memory_space<vmem>>)
    "tpu.region"() ({
      %run_scoped3A = tpu.sem_alloc : memref<!tpu.dma_semaphore, #tpu.memory_space<semaphore_mem>>
      %dma_start3A_65 = arith.constant 0 : i32
      %dma_start3A_66 = tpu.memref_slice %arg4[%add3A_18, %dma_start3A_65] : memref<32768x128xf32, #tpu.memory_space<hbm>> -> memref<128x128xf32, #tpu.memory_space<hbm>>
      %dma_start3A_67 = arith.constant 0 : i32
      %dma_start3A_68 = tpu.memref_slice %arg4[%add3A_18, %dma_start3A_67] : memref<32768x128xf32, #tpu.memory_space<hbm>> -> memref<128x128xf32, #tpu.memory_space<hbm>>
      tpu.enqueue_dma source(%arg6 : memref<128x128xf32, #tpu.memory_space<vmem>>) target(%dma_start3A_68 : memref<128x128xf32, #tpu.memory_space<hbm>>) target_semaphore(%run_scoped3A : memref<!tpu.dma_semaphore, #tpu.memory_space<semaphore_mem>>)
      %dma_wait3A_69 = arith.constant 0 : i32
      %dma_wait3A_70 = tpu.memref_slice %arg4[%add3A_18, %dma_wait3A_69] : memref<32768x128xf32, #tpu.memory_space<hbm>> -> memref<128x128xf32, #tpu.memory_space<hbm>>
      %dma_wait3A_71 = arith.constant 0 : i32
      %dma_wait3A_72 = tpu.memref_slice %arg4[%add3A_18, %dma_wait3A_71] : memref<32768x128xf32, #tpu.memory_space<hbm>> -> memref<128x128xf32, #tpu.memory_space<hbm>>
      tpu.wait_dma2 semaphore(%run_scoped3A : memref<!tpu.dma_semaphore, #tpu.memory_space<semaphore_mem>>) src(%arg6 : memref<128x128xf32, #tpu.memory_space<vmem>>) dst(%dma_wait3A_72 : memref<128x128xf32, #tpu.memory_space<hbm>>)
      tpu.yield
    }) : () -> ()
    %add3A_25 = arith.constant 384 : i32
    %add3A_26 = arith.addi %mul3A_2, %add3A_25 : i32
    "tpu.region"() ({
      %run_scoped3A = tpu.sem_alloc : memref<!tpu.dma_semaphore, #tpu.memory_space<semaphore_mem>>
      %dma_start3A_65 = tpu.memref_slice %arg3[%add3A_26] : memref<32768xi32, #tpu.memory_space<hbm>> -> memref<128xi32, #tpu.memory_space<hbm>>
      %dma_start3A_66 = tpu.memref_slice %arg3[%add3A_26] : memref<32768xi32, #tpu.memory_space<hbm>> -> memref<128xi32, #tpu.memory_space<hbm>>
      tpu.enqueue_dma source(%dma_start3A_66 : memref<128xi32, #tpu.memory_space<hbm>>) target(%arg5 : memref<128xi32, #tpu.memory_space<vmem>>) target_semaphore(%run_scoped3A : memref<!tpu.dma_semaphore, #tpu.memory_space<semaphore_mem>>)
      %dma_wait3A_67 = tpu.memref_slice %arg3[%add3A_26] : memref<32768xi32, #tpu.memory_space<hbm>> -> memref<128xi32, #tpu.memory_space<hbm>>
      %dma_wait3A_68 = tpu.memref_slice %arg3[%add3A_26] : memref<32768xi32, #tpu.memory_space<hbm>> -> memref<128xi32, #tpu.memory_space<hbm>>
      tpu.wait_dma2 semaphore(%run_scoped3A : memref<!tpu.dma_semaphore, #tpu.memory_space<semaphore_mem>>) src(%dma_wait3A_68 : memref<128xi32, #tpu.memory_space<hbm>>) dst(%arg5 : memref<128xi32, #tpu.memory_space<vmem>>)
      tpu.yield
    }) : () -> ()
    %dma_start3A_27 = arith.constant 0 : i32
    %dma_start3A_28 = arith.constant 0 : i32
    %dma_start3A_29 = tpu.memref_slice %arg2[%dma_start3A_27, %dma_start3A_28] : memref<16384x128xf32, #tpu.memory_space<hbm>> -> memref<16384x128xf32, #tpu.memory_space<hbm>>
    tpu.enqueue_indirect_dma source(%dma_start3A_29 : memref<16384x128xf32, #tpu.memory_space<hbm>>) target(%arg6 : memref<128x128xf32, #tpu.memory_space<vmem>>) offsets(%arg5 : memref<128xi32, #tpu.memory_space<vmem>>) semaphore(%arg7 : memref<!tpu.dma_semaphore, #tpu.memory_space<semaphore_mem>>)
    %dma_wait3A_30 = arith.constant 0 : i32
    %dma_wait3A_31 = arith.constant 0 : i32
    %dma_wait3A_32 = tpu.memref_slice %arg2[%dma_wait3A_30, %dma_wait3A_31] : memref<16384x128xf32, #tpu.memory_space<hbm>> -> memref<16384x128xf32, #tpu.memory_space<hbm>>
    tpu.wait_indirect_dma semaphore(%arg7 : memref<!tpu.dma_semaphore, #tpu.memory_space<semaphore_mem>>) src(%dma_wait3A_32 : memref<16384x128xf32, #tpu.memory_space<hbm>>) dst(%arg6 : memref<128x128xf32, #tpu.memory_space<vmem>>)
    "tpu.region"() ({
      %run_scoped3A = tpu.sem_alloc : memref<!tpu.dma_semaphore, #tpu.memory_space<semaphore_mem>>
      %dma_start3A_65 = arith.constant 0 : i32
      %dma_start3A_66 = tpu.memref_slice %arg4[%add3A_26, %dma_start3A_65] : memref<32768x128xf32, #tpu.memory_space<hbm>> -> memref<128x128xf32, #tpu.memory_space<hbm>>
      %dma_start3A_67 = arith.constant 0 : i32
      %dma_start3A_68 = tpu.memref_slice %arg4[%add3A_26, %dma_start3A_67] : memref<32768x128xf32, #tpu.memory_space<hbm>> -> memref<128x128xf32, #tpu.memory_space<hbm>>
      tpu.enqueue_dma source(%arg6 : memref<128x128xf32, #tpu.memory_space<vmem>>) target(%dma_start3A_68 : memref<128x128xf32, #tpu.memory_space<hbm>>) target_semaphore(%run_scoped3A : memref<!tpu.dma_semaphore, #tpu.memory_space<semaphore_mem>>)
      %dma_wait3A_69 = arith.constant 0 : i32
      %dma_wait3A_70 = tpu.memref_slice %arg4[%add3A_26, %dma_wait3A_69] : memref<32768x128xf32, #tpu.memory_space<hbm>> -> memref<128x128xf32, #tpu.memory_space<hbm>>
      %dma_wait3A_71 = arith.constant 0 : i32
      %dma_wait3A_72 = tpu.memref_slice %arg4[%add3A_26, %dma_wait3A_71] : memref<32768x128xf32, #tpu.memory_space<hbm>> -> memref<128x128xf32, #tpu.memory_space<hbm>>
      tpu.wait_dma2 semaphore(%run_scoped3A : memref<!tpu.dma_semaphore, #tpu.memory_space<semaphore_mem>>) src(%arg6 : memref<128x128xf32, #tpu.memory_space<vmem>>) dst(%dma_wait3A_72 : memref<128x128xf32, #tpu.memory_space<hbm>>)
      tpu.yield
    }) : () -> ()
    %add3A_33 = arith.constant 512 : i32
    %add3A_34 = arith.addi %mul3A_2, %add3A_33 : i32
    "tpu.region"() ({
      %run_scoped3A = tpu.sem_alloc : memref<!tpu.dma_semaphore, #tpu.memory_space<semaphore_mem>>
      %dma_start3A_65 = tpu.memref_slice %arg3[%add3A_34] : memref<32768xi32, #tpu.memory_space<hbm>> -> memref<128xi32, #tpu.memory_space<hbm>>
      %dma_start3A_66 = tpu.memref_slice %arg3[%add3A_34] : memref<32768xi32, #tpu.memory_space<hbm>> -> memref<128xi32, #tpu.memory_space<hbm>>
      tpu.enqueue_dma source(%dma_start3A_66 : memref<128xi32, #tpu.memory_space<hbm>>) target(%arg5 : memref<128xi32, #tpu.memory_space<vmem>>) target_semaphore(%run_scoped3A : memref<!tpu.dma_semaphore, #tpu.memory_space<semaphore_mem>>)
      %dma_wait3A_67 = tpu.memref_slice %arg3[%add3A_34] : memref<32768xi32, #tpu.memory_space<hbm>> -> memref<128xi32, #tpu.memory_space<hbm>>
      %dma_wait3A_68 = tpu.memref_slice %arg3[%add3A_34] : memref<32768xi32, #tpu.memory_space<hbm>> -> memref<128xi32, #tpu.memory_space<hbm>>
      tpu.wait_dma2 semaphore(%run_scoped3A : memref<!tpu.dma_semaphore, #tpu.memory_space<semaphore_mem>>) src(%dma_wait3A_68 : memref<128xi32, #tpu.memory_space<hbm>>) dst(%arg5 : memref<128xi32, #tpu.memory_space<vmem>>)
      tpu.yield
    }) : () -> ()
    %dma_start3A_35 = arith.constant 0 : i32
    %dma_start3A_36 = arith.constant 0 : i32
    %dma_start3A_37 = tpu.memref_slice %arg2[%dma_start3A_35, %dma_start3A_36] : memref<16384x128xf32, #tpu.memory_space<hbm>> -> memref<16384x128xf32, #tpu.memory_space<hbm>>
    tpu.enqueue_indirect_dma source(%dma_start3A_37 : memref<16384x128xf32, #tpu.memory_space<hbm>>) target(%arg6 : memref<128x128xf32, #tpu.memory_space<vmem>>) offsets(%arg5 : memref<128xi32, #tpu.memory_space<vmem>>) semaphore(%arg7 : memref<!tpu.dma_semaphore, #tpu.memory_space<semaphore_mem>>)
    %dma_wait3A_38 = arith.constant 0 : i32
    %dma_wait3A_39 = arith.constant 0 : i32
    %dma_wait3A_40 = tpu.memref_slice %arg2[%dma_wait3A_38, %dma_wait3A_39] : memref<16384x128xf32, #tpu.memory_space<hbm>> -> memref<16384x128xf32, #tpu.memory_space<hbm>>
    tpu.wait_indirect_dma semaphore(%arg7 : memref<!tpu.dma_semaphore, #tpu.memory_space<semaphore_mem>>) src(%dma_wait3A_40 : memref<16384x128xf32, #tpu.memory_space<hbm>>) dst(%arg6 : memref<128x128xf32, #tpu.memory_space<vmem>>)
    "tpu.region"() ({
      %run_scoped3A = tpu.sem_alloc : memref<!tpu.dma_semaphore, #tpu.memory_space<semaphore_mem>>
      %dma_start3A_65 = arith.constant 0 : i32
      %dma_start3A_66 = tpu.memref_slice %arg4[%add3A_34, %dma_start3A_65] : memref<32768x128xf32, #tpu.memory_space<hbm>> -> memref<128x128xf32, #tpu.memory_space<hbm>>
      %dma_start3A_67 = arith.constant 0 : i32
      %dma_start3A_68 = tpu.memref_slice %arg4[%add3A_34, %dma_start3A_67] : memref<32768x128xf32, #tpu.memory_space<hbm>> -> memref<128x128xf32, #tpu.memory_space<hbm>>
      tpu.enqueue_dma source(%arg6 : memref<128x128xf32, #tpu.memory_space<vmem>>) target(%dma_start3A_68 : memref<128x128xf32, #tpu.memory_space<hbm>>) target_semaphore(%run_scoped3A : memref<!tpu.dma_semaphore, #tpu.memory_space<semaphore_mem>>)
      %dma_wait3A_69 = arith.constant 0 : i32
      %dma_wait3A_70 = tpu.memref_slice %arg4[%add3A_34, %dma_wait3A_69] : memref<32768x128xf32, #tpu.memory_space<hbm>> -> memref<128x128xf32, #tpu.memory_space<hbm>>
      %dma_wait3A_71 = arith.constant 0 : i32
      %dma_wait3A_72 = tpu.memref_slice %arg4[%add3A_34, %dma_wait3A_71] : memref<32768x128xf32, #tpu.memory_space<hbm>> -> memref<128x128xf32, #tpu.memory_space<hbm>>
      tpu.wait_dma2 semaphore(%run_scoped3A : memref<!tpu.dma_semaphore, #tpu.memory_space<semaphore_mem>>) src(%arg6 : memref<128x128xf32, #tpu.memory_space<vmem>>) dst(%dma_wait3A_72 : memref<128x128xf32, #tpu.memory_space<hbm>>)
      tpu.yield
    }) : () -> ()
    %add3A_41 = arith.constant 640 : i32
    %add3A_42 = arith.addi %mul3A_2, %add3A_41 : i32
    "tpu.region"() ({
      %run_scoped3A = tpu.sem_alloc : memref<!tpu.dma_semaphore, #tpu.memory_space<semaphore_mem>>
      %dma_start3A_65 = tpu.memref_slice %arg3[%add3A_42] : memref<32768xi32, #tpu.memory_space<hbm>> -> memref<128xi32, #tpu.memory_space<hbm>>
      %dma_start3A_66 = tpu.memref_slice %arg3[%add3A_42] : memref<32768xi32, #tpu.memory_space<hbm>> -> memref<128xi32, #tpu.memory_space<hbm>>
      tpu.enqueue_dma source(%dma_start3A_66 : memref<128xi32, #tpu.memory_space<hbm>>) target(%arg5 : memref<128xi32, #tpu.memory_space<vmem>>) target_semaphore(%run_scoped3A : memref<!tpu.dma_semaphore, #tpu.memory_space<semaphore_mem>>)
      %dma_wait3A_67 = tpu.memref_slice %arg3[%add3A_42] : memref<32768xi32, #tpu.memory_space<hbm>> -> memref<128xi32, #tpu.memory_space<hbm>>
      %dma_wait3A_68 = tpu.memref_slice %arg3[%add3A_42] : memref<32768xi32, #tpu.memory_space<hbm>> -> memref<128xi32, #tpu.memory_space<hbm>>
      tpu.wait_dma2 semaphore(%run_scoped3A : memref<!tpu.dma_semaphore, #tpu.memory_space<semaphore_mem>>) src(%dma_wait3A_68 : memref<128xi32, #tpu.memory_space<hbm>>) dst(%arg5 : memref<128xi32, #tpu.memory_space<vmem>>)
      tpu.yield
    }) : () -> ()
    %dma_start3A_43 = arith.constant 0 : i32
    %dma_start3A_44 = arith.constant 0 : i32
    %dma_start3A_45 = tpu.memref_slice %arg2[%dma_start3A_43, %dma_start3A_44] : memref<16384x128xf32, #tpu.memory_space<hbm>> -> memref<16384x128xf32, #tpu.memory_space<hbm>>
    tpu.enqueue_indirect_dma source(%dma_start3A_45 : memref<16384x128xf32, #tpu.memory_space<hbm>>) target(%arg6 : memref<128x128xf32, #tpu.memory_space<vmem>>) offsets(%arg5 : memref<128xi32, #tpu.memory_space<vmem>>) semaphore(%arg7 : memref<!tpu.dma_semaphore, #tpu.memory_space<semaphore_mem>>)
    %dma_wait3A_46 = arith.constant 0 : i32
    %dma_wait3A_47 = arith.constant 0 : i32
    %dma_wait3A_48 = tpu.memref_slice %arg2[%dma_wait3A_46, %dma_wait3A_47] : memref<16384x128xf32, #tpu.memory_space<hbm>> -> memref<16384x128xf32, #tpu.memory_space<hbm>>
    tpu.wait_indirect_dma semaphore(%arg7 : memref<!tpu.dma_semaphore, #tpu.memory_space<semaphore_mem>>) src(%dma_wait3A_48 : memref<16384x128xf32, #tpu.memory_space<hbm>>) dst(%arg6 : memref<128x128xf32, #tpu.memory_space<vmem>>)
    "tpu.region"() ({
      %run_scoped3A = tpu.sem_alloc : memref<!tpu.dma_semaphore, #tpu.memory_space<semaphore_mem>>
      %dma_start3A_65 = arith.constant 0 : i32
      %dma_start3A_66 = tpu.memref_slice %arg4[%add3A_42, %dma_start3A_65] : memref<32768x128xf32, #tpu.memory_space<hbm>> -> memref<128x128xf32, #tpu.memory_space<hbm>>
      %dma_start3A_67 = arith.constant 0 : i32
      %dma_start3A_68 = tpu.memref_slice %arg4[%add3A_42, %dma_start3A_67] : memref<32768x128xf32, #tpu.memory_space<hbm>> -> memref<128x128xf32, #tpu.memory_space<hbm>>
      tpu.enqueue_dma source(%arg6 : memref<128x128xf32, #tpu.memory_space<vmem>>) target(%dma_start3A_68 : memref<128x128xf32, #tpu.memory_space<hbm>>) target_semaphore(%run_scoped3A : memref<!tpu.dma_semaphore, #tpu.memory_space<semaphore_mem>>)
      %dma_wait3A_69 = arith.constant 0 : i32
      %dma_wait3A_70 = tpu.memref_slice %arg4[%add3A_42, %dma_wait3A_69] : memref<32768x128xf32, #tpu.memory_space<hbm>> -> memref<128x128xf32, #tpu.memory_space<hbm>>
      %dma_wait3A_71 = arith.constant 0 : i32
      %dma_wait3A_72 = tpu.memref_slice %arg4[%add3A_42, %dma_wait3A_71] : memref<32768x128xf32, #tpu.memory_space<hbm>> -> memref<128x128xf32, #tpu.memory_space<hbm>>
      tpu.wait_dma2 semaphore(%run_scoped3A : memref<!tpu.dma_semaphore, #tpu.memory_space<semaphore_mem>>) src(%arg6 : memref<128x128xf32, #tpu.memory_space<vmem>>) dst(%dma_wait3A_72 : memref<128x128xf32, #tpu.memory_space<hbm>>)
      tpu.yield
    }) : () -> ()
    %add3A_49 = arith.constant 768 : i32
    %add3A_50 = arith.addi %mul3A_2, %add3A_49 : i32
    "tpu.region"() ({
      %run_scoped3A = tpu.sem_alloc : memref<!tpu.dma_semaphore, #tpu.memory_space<semaphore_mem>>
      %dma_start3A_65 = tpu.memref_slice %arg3[%add3A_50] : memref<32768xi32, #tpu.memory_space<hbm>> -> memref<128xi32, #tpu.memory_space<hbm>>
      %dma_start3A_66 = tpu.memref_slice %arg3[%add3A_50] : memref<32768xi32, #tpu.memory_space<hbm>> -> memref<128xi32, #tpu.memory_space<hbm>>
      tpu.enqueue_dma source(%dma_start3A_66 : memref<128xi32, #tpu.memory_space<hbm>>) target(%arg5 : memref<128xi32, #tpu.memory_space<vmem>>) target_semaphore(%run_scoped3A : memref<!tpu.dma_semaphore, #tpu.memory_space<semaphore_mem>>)
      %dma_wait3A_67 = tpu.memref_slice %arg3[%add3A_50] : memref<32768xi32, #tpu.memory_space<hbm>> -> memref<128xi32, #tpu.memory_space<hbm>>
      %dma_wait3A_68 = tpu.memref_slice %arg3[%add3A_50] : memref<32768xi32, #tpu.memory_space<hbm>> -> memref<128xi32, #tpu.memory_space<hbm>>
      tpu.wait_dma2 semaphore(%run_scoped3A : memref<!tpu.dma_semaphore, #tpu.memory_space<semaphore_mem>>) src(%dma_wait3A_68 : memref<128xi32, #tpu.memory_space<hbm>>) dst(%arg5 : memref<128xi32, #tpu.memory_space<vmem>>)
      tpu.yield
    }) : () -> ()
    %dma_start3A_51 = arith.constant 0 : i32
    %dma_start3A_52 = arith.constant 0 : i32
    %dma_start3A_53 = tpu.memref_slice %arg2[%dma_start3A_51, %dma_start3A_52] : memref<16384x128xf32, #tpu.memory_space<hbm>> -> memref<16384x128xf32, #tpu.memory_space<hbm>>
    tpu.enqueue_indirect_dma source(%dma_start3A_53 : memref<16384x128xf32, #tpu.memory_space<hbm>>) target(%arg6 : memref<128x128xf32, #tpu.memory_space<vmem>>) offsets(%arg5 : memref<128xi32, #tpu.memory_space<vmem>>) semaphore(%arg7 : memref<!tpu.dma_semaphore, #tpu.memory_space<semaphore_mem>>)
    %dma_wait3A_54 = arith.constant 0 : i32
    %dma_wait3A_55 = arith.constant 0 : i32
    %dma_wait3A_56 = tpu.memref_slice %arg2[%dma_wait3A_54, %dma_wait3A_55] : memref<16384x128xf32, #tpu.memory_space<hbm>> -> memref<16384x128xf32, #tpu.memory_space<hbm>>
    tpu.wait_indirect_dma semaphore(%arg7 : memref<!tpu.dma_semaphore, #tpu.memory_space<semaphore_mem>>) src(%dma_wait3A_56 : memref<16384x128xf32, #tpu.memory_space<hbm>>) dst(%arg6 : memref<128x128xf32, #tpu.memory_space<vmem>>)
    "tpu.region"() ({
      %run_scoped3A = tpu.sem_alloc : memref<!tpu.dma_semaphore, #tpu.memory_space<semaphore_mem>>
      %dma_start3A_65 = arith.constant 0 : i32
      %dma_start3A_66 = tpu.memref_slice %arg4[%add3A_50, %dma_start3A_65] : memref<32768x128xf32, #tpu.memory_space<hbm>> -> memref<128x128xf32, #tpu.memory_space<hbm>>
      %dma_start3A_67 = arith.constant 0 : i32
      %dma_start3A_68 = tpu.memref_slice %arg4[%add3A_50, %dma_start3A_67] : memref<32768x128xf32, #tpu.memory_space<hbm>> -> memref<128x128xf32, #tpu.memory_space<hbm>>
      tpu.enqueue_dma source(%arg6 : memref<128x128xf32, #tpu.memory_space<vmem>>) target(%dma_start3A_68 : memref<128x128xf32, #tpu.memory_space<hbm>>) target_semaphore(%run_scoped3A : memref<!tpu.dma_semaphore, #tpu.memory_space<semaphore_mem>>)
      %dma_wait3A_69 = arith.constant 0 : i32
      %dma_wait3A_70 = tpu.memref_slice %arg4[%add3A_50, %dma_wait3A_69] : memref<32768x128xf32, #tpu.memory_space<hbm>> -> memref<128x128xf32, #tpu.memory_space<hbm>>
      %dma_wait3A_71 = arith.constant 0 : i32
      %dma_wait3A_72 = tpu.memref_slice %arg4[%add3A_50, %dma_wait3A_71] : memref<32768x128xf32, #tpu.memory_space<hbm>> -> memref<128x128xf32, #tpu.memory_space<hbm>>
      tpu.wait_dma2 semaphore(%run_scoped3A : memref<!tpu.dma_semaphore, #tpu.memory_space<semaphore_mem>>) src(%arg6 : memref<128x128xf32, #tpu.memory_space<vmem>>) dst(%dma_wait3A_72 : memref<128x128xf32, #tpu.memory_space<hbm>>)
      tpu.yield
    }) : () -> ()
    %add3A_57 = arith.constant 896 : i32
    %add3A_58 = arith.addi %mul3A_2, %add3A_57 : i32
    "tpu.region"() ({
      %run_scoped3A = tpu.sem_alloc : memref<!tpu.dma_semaphore, #tpu.memory_space<semaphore_mem>>
      %dma_start3A_65 = tpu.memref_slice %arg3[%add3A_58] : memref<32768xi32, #tpu.memory_space<hbm>> -> memref<128xi32, #tpu.memory_space<hbm>>
      %dma_start3A_66 = tpu.memref_slice %arg3[%add3A_58] : memref<32768xi32, #tpu.memory_space<hbm>> -> memref<128xi32, #tpu.memory_space<hbm>>
      tpu.enqueue_dma source(%dma_start3A_66 : memref<128xi32, #tpu.memory_space<hbm>>) target(%arg5 : memref<128xi32, #tpu.memory_space<vmem>>) target_semaphore(%run_scoped3A : memref<!tpu.dma_semaphore, #tpu.memory_space<semaphore_mem>>)
      %dma_wait3A_67 = tpu.memref_slice %arg3[%add3A_58] : memref<32768xi32, #tpu.memory_space<hbm>> -> memref<128xi32, #tpu.memory_space<hbm>>
      %dma_wait3A_68 = tpu.memref_slice %arg3[%add3A_58] : memref<32768xi32, #tpu.memory_space<hbm>> -> memref<128xi32, #tpu.memory_space<hbm>>
      tpu.wait_dma2 semaphore(%run_scoped3A : memref<!tpu.dma_semaphore, #tpu.memory_space<semaphore_mem>>) src(%dma_wait3A_68 : memref<128xi32, #tpu.memory_space<hbm>>) dst(%arg5 : memref<128xi32, #tpu.memory_space<vmem>>)
      tpu.yield
    }) : () -> ()
    %dma_start3A_59 = arith.constant 0 : i32
    %dma_start3A_60 = arith.constant 0 : i32
    %dma_start3A_61 = tpu.memref_slice %arg2[%dma_start3A_59, %dma_start3A_60] : memref<16384x128xf32, #tpu.memory_space<hbm>> -> memref<16384x128xf32, #tpu.memory_space<hbm>>
    tpu.enqueue_indirect_dma source(%dma_start3A_61 : memref<16384x128xf32, #tpu.memory_space<hbm>>) target(%arg6 : memref<128x128xf32, #tpu.memory_space<vmem>>) offsets(%arg5 : memref<128xi32, #tpu.memory_space<vmem>>) semaphore(%arg7 : memref<!tpu.dma_semaphore, #tpu.memory_space<semaphore_mem>>)
    %dma_wait3A_62 = arith.constant 0 : i32
    %dma_wait3A_63 = arith.constant 0 : i32
    %dma_wait3A_64 = tpu.memref_slice %arg2[%dma_wait3A_62, %dma_wait3A_63] : memref<16384x128xf32, #tpu.memory_space<hbm>> -> memref<16384x128xf32, #tpu.memory_space<hbm>>
    tpu.wait_indirect_dma semaphore(%arg7 : memref<!tpu.dma_semaphore, #tpu.memory_space<semaphore_mem>>) src(%dma_wait3A_64 : memref<16384x128xf32, #tpu.memory_space<hbm>>) dst(%arg6 : memref<128x128xf32, #tpu.memory_space<vmem>>)
    "tpu.region"() ({
      %run_scoped3A = tpu.sem_alloc : memref<!tpu.dma_semaphore, #tpu.memory_space<semaphore_mem>>
      %dma_start3A_65 = arith.constant 0 : i32
      %dma_start3A_66 = tpu.memref_slice %arg4[%add3A_58, %dma_start3A_65] : memref<32768x128xf32, #tpu.memory_space<hbm>> -> memref<128x128xf32, #tpu.memory_space<hbm>>
      %dma_start3A_67 = arith.constant 0 : i32
      %dma_start3A_68 = tpu.memref_slice %arg4[%add3A_58, %dma_start3A_67] : memref<32768x128xf32, #tpu.memory_space<hbm>> -> memref<128x128xf32, #tpu.memory_space<hbm>>
      tpu.enqueue_dma source(%arg6 : memref<128x128xf32, #tpu.memory_space<vmem>>) target(%dma_start3A_68 : memref<128x128xf32, #tpu.memory_space<hbm>>) target_semaphore(%run_scoped3A : memref<!tpu.dma_semaphore, #tpu.memory_space<semaphore_mem>>)
      %dma_wait3A_69 = arith.constant 0 : i32
      %dma_wait3A_70 = tpu.memref_slice %arg4[%add3A_58, %dma_wait3A_69] : memref<32768x128xf32, #tpu.memory_space<hbm>> -> memref<128x128xf32, #tpu.memory_space<hbm>>
      %dma_wait3A_71 = arith.constant 0 : i32
      %dma_wait3A_72 = tpu.memref_slice %arg4[%add3A_58, %dma_wait3A_71] : memref<32768x128xf32, #tpu.memory_space<hbm>> -> memref<128x128xf32, #tpu.memory_space<hbm>>
      tpu.wait_dma2 semaphore(%run_scoped3A : memref<!tpu.dma_semaphore, #tpu.memory_space<semaphore_mem>>) src(%arg6 : memref<128x128xf32, #tpu.memory_space<vmem>>) dst(%dma_wait3A_72 : memref<128x128xf32, #tpu.memory_space<hbm>>)
      tpu.yield
    }) : () -> ()
    return
  }
}

module attributes {stable_mosaic.version = 14 : i64} {
  func.func @_router_kernel(%arg0: i32, %arg1: memref<8x256x1728xf32, #tpu.memory_space<vmem>>, %arg2: memref<1728x32xf32, #tpu.memory_space<vmem>>, %arg3: memref<1x32xf32, #tpu.memory_space<vmem>>, %arg4: memref<64x32xf32, #tpu.memory_space<vmem>>, %arg5: memref<64x1xf32, #tpu.memory_space<vmem>>, %arg6: memref<8x256x128xf32, #tpu.memory_space<vmem>>, %arg7: memref<512x8xi32, #tpu.memory_space<vmem>>, %arg8: memref<512x8xf32, #tpu.memory_space<vmem>>) attributes {dimension_semantics = [#tpu.dimension_semantics<arbitrary>], iteration_bounds = array<i64: 8>, scalar_prefetch = 0 : i64, scratch_operands = 0 : i64, tpu.core_type = #tpu.core_type<tc>, window_params = [{transform_indices = @transform_0, window_bounds = array<i64: 8, 256, 1728>}, {pipeline_mode = #tpu.pipeline_mode<synchronous>, transform_indices = @transform_1, window_bounds = array<i64: 1728, 32>}, {pipeline_mode = #tpu.pipeline_mode<synchronous>, transform_indices = @transform_2, window_bounds = array<i64: 1, 32>}, {pipeline_mode = #tpu.pipeline_mode<synchronous>, transform_indices = @transform_3, window_bounds = array<i64: 64, 32>}, {pipeline_mode = #tpu.pipeline_mode<synchronous>, transform_indices = @transform_4, window_bounds = array<i64: 64, 1>}, {transform_indices = @transform_5, window_bounds = array<i64: 8, 256, 128>}, {transform_indices = @transform_6, window_bounds = array<i64: 512, 8>}, {transform_indices = @transform_7, window_bounds = array<i64: 512, 8>}]} {
    %get3A = arith.constant 0 : index
    %get3A_0 = arith.constant 0 : index
    %get3A_1 = arith.constant 0 : index
    %get3A_2 = vector.load %arg1[%get3A, %get3A_0, %get3A_1] : memref<8x256x1728xf32, #tpu.memory_space<vmem>>, vector<1x256x1728xf32>
    %get3A_3 = vector.shape_cast %get3A_2 : vector<1x256x1728xf32> to vector<256x1728xf32>
    %get3A_4 = arith.constant 0 : index
    %get3A_5 = arith.constant 0 : index
    %get3A_6 = vector.load %arg2[%get3A_4, %get3A_5] : memref<1728x32xf32, #tpu.memory_space<vmem>>, vector<1728x32xf32>
    %dot_general3A = arith.constant dense<0.000000e+00> : vector<256x32xf32>
    %dot_general3A_7 = tpu.matmul %get3A_3, %get3A_6, %dot_general3A {dimension_numbers = #tpu.dot_dimension_numbers<[1], [0], [0], [1], [0, 0, 1, 1], [], []>, transpose_lhs_hint = false} : vector<256x1728xf32>, vector<1728x32xf32>, vector<256x32xf32> -> vector<256x32xf32>
    %get3A_8 = arith.constant 0 : index
    %get3A_9 = arith.constant 0 : index
    %get3A_10 = vector.load %arg3[%get3A_8, %get3A_9] : memref<1x32xf32, #tpu.memory_space<vmem>>, vector<1x32xf32>
    %add3A = vector.broadcast %get3A_10 : vector<1x32xf32> to vector<256x32xf32>
    %add3A_11 = arith.addf %dot_general3A_7, %add3A : vector<256x32xf32>
    %jit3A = arith.constant 0 : i32
    %convert_element_type3A = arith.sitofp %jit3A : i32 to f32
    %pad3A = vector.broadcast %convert_element_type3A : f32 to vector<256x96xf32>
    %pad3A_12 = tpu.concatenate %add3A_11, %pad3A in 1 : vector<256x32xf32>, vector<256x96xf32> -> vector<256x128xf32>
    %swap3A = arith.constant 0 : index
    %swap3A_13 = arith.constant 0 : index
    %swap3A_14 = arith.constant 0 : index
    %swap3A_15 = vector.load %arg6[%swap3A, %swap3A_13, %swap3A_14] : memref<8x256x128xf32, #tpu.memory_space<vmem>>, vector<1x256x128xf32>
    %swap3A_16 = vector.shape_cast %swap3A_15 : vector<1x256x128xf32> to vector<256x128xf32>
    %swap3A_17 = vector.shape_cast %pad3A_12 : vector<256x128xf32> to vector<1x256x128xf32>
    tpu.vector_store %arg6[%swap3A, %swap3A_13, %swap3A_14], %swap3A_17 {strides = array<i32>} : memref<8x256x128xf32, #tpu.memory_space<vmem>>, vector<1x256x128xf32>,
    %get3A_18 = arith.constant 0 : index
    %get3A_19 = arith.constant 0 : index
    %get3A_20 = vector.load %arg4[%get3A_18, %get3A_19] : memref<64x32xf32, #tpu.memory_space<vmem>>, vector<64x32xf32>
    %dot_general3A_21 = arith.constant dense<0.000000e+00> : vector<64x256xf32>
    %dot_general3A_22 = tpu.matmul %get3A_20, %add3A_11, %dot_general3A_21 {dimension_numbers = #tpu.dot_dimension_numbers<[1], [1], [0], [0], [0, 0, 1, 0], [], []>, transpose_lhs_hint = false} : vector<64x32xf32>, vector<256x32xf32>, vector<64x256xf32> -> vector<64x256xf32>
    %get3A_23 = arith.constant 1 : index
    %get3A_24 = arith.constant 0 : index
    %get3A_25 = arith.constant 0 : index
    %get3A_26 = vector.load %arg1[%get3A_23, %get3A_24, %get3A_25] : memref<8x256x1728xf32, #tpu.memory_space<vmem>>, vector<1x256x1728xf32>
    %get3A_27 = vector.shape_cast %get3A_26 : vector<1x256x1728xf32> to vector<256x1728xf32>
    %get3A_28 = arith.constant 0 : index
    %get3A_29 = arith.constant 0 : index
    %get3A_30 = vector.load %arg2[%get3A_28, %get3A_29] : memref<1728x32xf32, #tpu.memory_space<vmem>>, vector<1728x32xf32>
    %dot_general3A_31 = arith.constant dense<0.000000e+00> : vector<256x32xf32>
    %dot_general3A_32 = tpu.matmul %get3A_27, %get3A_30, %dot_general3A_31 {dimension_numbers = #tpu.dot_dimension_numbers<[1], [0], [0], [1], [0, 0, 1, 1], [], []>, transpose_lhs_hint = false} : vector<256x1728xf32>, vector<1728x32xf32>, vector<256x32xf32> -> vector<256x32xf32>
    %get3A_33 = arith.constant 0 : index
    %get3A_34 = arith.constant 0 : index
    %get3A_35 = vector.load %arg3[%get3A_33, %get3A_34] : memref<1x32xf32, #tpu.memory_space<vmem>>, vector<1x32xf32>
    %add3A_36 = vector.broadcast %get3A_35 : vector<1x32xf32> to vector<256x32xf32>
    %add3A_37 = arith.addf %dot_general3A_32, %add3A_36 : vector<256x32xf32>
    %jit3A_38 = arith.constant 0 : i32
    %convert_element_type3A_39 = arith.sitofp %jit3A_38 : i32 to f32
    %pad3A_40 = vector.broadcast %convert_element_type3A_39 : f32 to vector<256x96xf32>
    %pad3A_41 = tpu.concatenate %add3A_37, %pad3A_40 in 1 : vector<256x32xf32>, vector<256x96xf32> -> vector<256x128xf32>
    %swap3A_42 = arith.constant 1 : index
    %swap3A_43 = arith.constant 0 : index
    %swap3A_44 = arith.constant 0 : index
    %swap3A_45 = vector.load %arg6[%swap3A_42, %swap3A_43, %swap3A_44] : memref<8x256x128xf32, #tpu.memory_space<vmem>>, vector<1x256x128xf32>
    %swap3A_46 = vector.shape_cast %swap3A_45 : vector<1x256x128xf32> to vector<256x128xf32>
    %swap3A_47 = vector.shape_cast %pad3A_41 : vector<256x128xf32> to vector<1x256x128xf32>
    tpu.vector_store %arg6[%swap3A_42, %swap3A_43, %swap3A_44], %swap3A_47 {strides = array<i32>} : memref<8x256x128xf32, #tpu.memory_space<vmem>>, vector<1x256x128xf32>,
    %get3A_48 = arith.constant 0 : index
    %get3A_49 = arith.constant 0 : index
    %get3A_50 = vector.load %arg4[%get3A_48, %get3A_49] : memref<64x32xf32, #tpu.memory_space<vmem>>, vector<64x32xf32>
    %dot_general3A_51 = arith.constant dense<0.000000e+00> : vector<64x256xf32>
    %dot_general3A_52 = tpu.matmul %get3A_50, %add3A_37, %dot_general3A_51 {dimension_numbers = #tpu.dot_dimension_numbers<[1], [1], [0], [0], [0, 0, 1, 0], [], []>, transpose_lhs_hint = false} : vector<64x32xf32>, vector<256x32xf32>, vector<64x256xf32> -> vector<64x256xf32>
    %get3A_53 = arith.constant 2 : index
    %get3A_54 = arith.constant 0 : index
    %get3A_55 = arith.constant 0 : index
    %get3A_56 = vector.load %arg1[%get3A_53, %get3A_54, %get3A_55] : memref<8x256x1728xf32, #tpu.memory_space<vmem>>, vector<1x256x1728xf32>
    %get3A_57 = vector.shape_cast %get3A_56 : vector<1x256x1728xf32> to vector<256x1728xf32>
    %get3A_58 = arith.constant 0 : index
    %get3A_59 = arith.constant 0 : index
    %get3A_60 = vector.load %arg2[%get3A_58, %get3A_59] : memref<1728x32xf32, #tpu.memory_space<vmem>>, vector<1728x32xf32>
    %dot_general3A_61 = arith.constant dense<0.000000e+00> : vector<256x32xf32>
    %dot_general3A_62 = tpu.matmul %get3A_57, %get3A_60, %dot_general3A_61 {dimension_numbers = #tpu.dot_dimension_numbers<[1], [0], [0], [1], [0, 0, 1, 1], [], []>, transpose_lhs_hint = false} : vector<256x1728xf32>, vector<1728x32xf32>, vector<256x32xf32> -> vector<256x32xf32>
    %get3A_63 = arith.constant 0 : index
    %get3A_64 = arith.constant 0 : index
    %get3A_65 = vector.load %arg3[%get3A_63, %get3A_64] : memref<1x32xf32, #tpu.memory_space<vmem>>, vector<1x32xf32>
    %add3A_66 = vector.broadcast %get3A_65 : vector<1x32xf32> to vector<256x32xf32>
    %add3A_67 = arith.addf %dot_general3A_62, %add3A_66 : vector<256x32xf32>
    %jit3A_68 = arith.constant 0 : i32
    %convert_element_type3A_69 = arith.sitofp %jit3A_68 : i32 to f32
    %pad3A_70 = vector.broadcast %convert_element_type3A_69 : f32 to vector<256x96xf32>
    %pad3A_71 = tpu.concatenate %add3A_67, %pad3A_70 in 1 : vector<256x32xf32>, vector<256x96xf32> -> vector<256x128xf32>
    %swap3A_72 = arith.constant 2 : index
    %swap3A_73 = arith.constant 0 : index
    %swap3A_74 = arith.constant 0 : index
    %swap3A_75 = vector.load %arg6[%swap3A_72, %swap3A_73, %swap3A_74] : memref<8x256x128xf32, #tpu.memory_space<vmem>>, vector<1x256x128xf32>
    %swap3A_76 = vector.shape_cast %swap3A_75 : vector<1x256x128xf32> to vector<256x128xf32>
    %swap3A_77 = vector.shape_cast %pad3A_71 : vector<256x128xf32> to vector<1x256x128xf32>
    tpu.vector_store %arg6[%swap3A_72, %swap3A_73, %swap3A_74], %swap3A_77 {strides = array<i32>} : memref<8x256x128xf32, #tpu.memory_space<vmem>>, vector<1x256x128xf32>,
    %get3A_78 = arith.constant 0 : index
    %get3A_79 = arith.constant 0 : index
    %get3A_80 = vector.load %arg4[%get3A_78, %get3A_79] : memref<64x32xf32, #tpu.memory_space<vmem>>, vector<64x32xf32>
    %dot_general3A_81 = arith.constant dense<0.000000e+00> : vector<64x256xf32>
    %dot_general3A_82 = tpu.matmul %get3A_80, %add3A_67, %dot_general3A_81 {dimension_numbers = #tpu.dot_dimension_numbers<[1], [1], [0], [0], [0, 0, 1, 0], [], []>, transpose_lhs_hint = false} : vector<64x32xf32>, vector<256x32xf32>, vector<64x256xf32> -> vector<64x256xf32>
    %get3A_83 = arith.constant 3 : index
    %get3A_84 = arith.constant 0 : index
    %get3A_85 = arith.constant 0 : index
    %get3A_86 = vector.load %arg1[%get3A_83, %get3A_84, %get3A_85] : memref<8x256x1728xf32, #tpu.memory_space<vmem>>, vector<1x256x1728xf32>
    %get3A_87 = vector.shape_cast %get3A_86 : vector<1x256x1728xf32> to vector<256x1728xf32>
    %get3A_88 = arith.constant 0 : index
    %get3A_89 = arith.constant 0 : index
    %get3A_90 = vector.load %arg2[%get3A_88, %get3A_89] : memref<1728x32xf32, #tpu.memory_space<vmem>>, vector<1728x32xf32>
    %dot_general3A_91 = arith.constant dense<0.000000e+00> : vector<256x32xf32>
    %dot_general3A_92 = tpu.matmul %get3A_87, %get3A_90, %dot_general3A_91 {dimension_numbers = #tpu.dot_dimension_numbers<[1], [0], [0], [1], [0, 0, 1, 1], [], []>, transpose_lhs_hint = false} : vector<256x1728xf32>, vector<1728x32xf32>, vector<256x32xf32> -> vector<256x32xf32>
    %get3A_93 = arith.constant 0 : index
    %get3A_94 = arith.constant 0 : index
    %get3A_95 = vector.load %arg3[%get3A_93, %get3A_94] : memref<1x32xf32, #tpu.memory_space<vmem>>, vector<1x32xf32>
    %add3A_96 = vector.broadcast %get3A_95 : vector<1x32xf32> to vector<256x32xf32>
    %add3A_97 = arith.addf %dot_general3A_92, %add3A_96 : vector<256x32xf32>
    %jit3A_98 = arith.constant 0 : i32
    %convert_element_type3A_99 = arith.sitofp %jit3A_98 : i32 to f32
    %pad3A_100 = vector.broadcast %convert_element_type3A_99 : f32 to vector<256x96xf32>
    %pad3A_101 = tpu.concatenate %add3A_97, %pad3A_100 in 1 : vector<256x32xf32>, vector<256x96xf32> -> vector<256x128xf32>
    %swap3A_102 = arith.constant 3 : index
    %swap3A_103 = arith.constant 0 : index
    %swap3A_104 = arith.constant 0 : index
    %swap3A_105 = vector.load %arg6[%swap3A_102, %swap3A_103, %swap3A_104] : memref<8x256x128xf32, #tpu.memory_space<vmem>>, vector<1x256x128xf32>
    %swap3A_106 = vector.shape_cast %swap3A_105 : vector<1x256x128xf32> to vector<256x128xf32>
    %swap3A_107 = vector.shape_cast %pad3A_101 : vector<256x128xf32> to vector<1x256x128xf32>
    tpu.vector_store %arg6[%swap3A_102, %swap3A_103, %swap3A_104], %swap3A_107 {strides = array<i32>} : memref<8x256x128xf32, #tpu.memory_space<vmem>>, vector<1x256x128xf32>,
    %get3A_108 = arith.constant 0 : index
    %get3A_109 = arith.constant 0 : index
    %get3A_110 = vector.load %arg4[%get3A_108, %get3A_109] : memref<64x32xf32, #tpu.memory_space<vmem>>, vector<64x32xf32>
    %dot_general3A_111 = arith.constant dense<0.000000e+00> : vector<64x256xf32>
    %dot_general3A_112 = tpu.matmul %get3A_110, %add3A_97, %dot_general3A_111 {dimension_numbers = #tpu.dot_dimension_numbers<[1], [1], [0], [0], [0, 0, 1, 0], [], []>, transpose_lhs_hint = false} : vector<64x32xf32>, vector<256x32xf32>, vector<64x256xf32> -> vector<64x256xf32>
    %get3A_113 = arith.constant 4 : index
    %get3A_114 = arith.constant 0 : index
    %get3A_115 = arith.constant 0 : index
    %get3A_116 = vector.load %arg1[%get3A_113, %get3A_114, %get3A_115] : memref<8x256x1728xf32, #tpu.memory_space<vmem>>, vector<1x256x1728xf32>
    %get3A_117 = vector.shape_cast %get3A_116 : vector<1x256x1728xf32> to vector<256x1728xf32>
    %get3A_118 = arith.constant 0 : index
    %get3A_119 = arith.constant 0 : index
    %get3A_120 = vector.load %arg2[%get3A_118, %get3A_119] : memref<1728x32xf32, #tpu.memory_space<vmem>>, vector<1728x32xf32>
    %dot_general3A_121 = arith.constant dense<0.000000e+00> : vector<256x32xf32>
    %dot_general3A_122 = tpu.matmul %get3A_117, %get3A_120, %dot_general3A_121 {dimension_numbers = #tpu.dot_dimension_numbers<[1], [0], [0], [1], [0, 0, 1, 1], [], []>, transpose_lhs_hint = false} : vector<256x1728xf32>, vector<1728x32xf32>, vector<256x32xf32> -> vector<256x32xf32>
    %get3A_123 = arith.constant 0 : index
    %get3A_124 = arith.constant 0 : index
    %get3A_125 = vector.load %arg3[%get3A_123, %get3A_124] : memref<1x32xf32, #tpu.memory_space<vmem>>, vector<1x32xf32>
    %add3A_126 = vector.broadcast %get3A_125 : vector<1x32xf32> to vector<256x32xf32>
    %add3A_127 = arith.addf %dot_general3A_122, %add3A_126 : vector<256x32xf32>
    %jit3A_128 = arith.constant 0 : i32
    %convert_element_type3A_129 = arith.sitofp %jit3A_128 : i32 to f32
    %pad3A_130 = vector.broadcast %convert_element_type3A_129 : f32 to vector<256x96xf32>
    %pad3A_131 = tpu.concatenate %add3A_127, %pad3A_130 in 1 : vector<256x32xf32>, vector<256x96xf32> -> vector<256x128xf32>
    %swap3A_132 = arith.constant 4 : index
    %swap3A_133 = arith.constant 0 : index
    %swap3A_134 = arith.constant 0 : index
    %swap3A_135 = vector.load %arg6[%swap3A_132, %swap3A_133, %swap3A_134] : memref<8x256x128xf32, #tpu.memory_space<vmem>>, vector<1x256x128xf32>
    %swap3A_136 = vector.shape_cast %swap3A_135 : vector<1x256x128xf32> to vector<256x128xf32>
    %swap3A_137 = vector.shape_cast %pad3A_131 : vector<256x128xf32> to vector<1x256x128xf32>
    tpu.vector_store %arg6[%swap3A_132, %swap3A_133, %swap3A_134], %swap3A_137 {strides = array<i32>} : memref<8x256x128xf32, #tpu.memory_space<vmem>>, vector<1x256x128xf32>,
    %get3A_138 = arith.constant 0 : index
    %get3A_139 = arith.constant 0 : index
    %get3A_140 = vector.load %arg4[%get3A_138, %get3A_139] : memref<64x32xf32, #tpu.memory_space<vmem>>, vector<64x32xf32>
    %dot_general3A_141 = arith.constant dense<0.000000e+00> : vector<64x256xf32>
    %dot_general3A_142 = tpu.matmul %get3A_140, %add3A_127, %dot_general3A_141 {dimension_numbers = #tpu.dot_dimension_numbers<[1], [1], [0], [0], [0, 0, 1, 0], [], []>, transpose_lhs_hint = false} : vector<64x32xf32>, vector<256x32xf32>, vector<64x256xf32> -> vector<64x256xf32>
    %get3A_143 = arith.constant 5 : index
    %get3A_144 = arith.constant 0 : index
    %get3A_145 = arith.constant 0 : index
    %get3A_146 = vector.load %arg1[%get3A_143, %get3A_144, %get3A_145] : memref<8x256x1728xf32, #tpu.memory_space<vmem>>, vector<1x256x1728xf32>
    %get3A_147 = vector.shape_cast %get3A_146 : vector<1x256x1728xf32> to vector<256x1728xf32>
    %get3A_148 = arith.constant 0 : index
    %get3A_149 = arith.constant 0 : index
    %get3A_150 = vector.load %arg2[%get3A_148, %get3A_149] : memref<1728x32xf32, #tpu.memory_space<vmem>>, vector<1728x32xf32>
    %dot_general3A_151 = arith.constant dense<0.000000e+00> : vector<256x32xf32>
    %dot_general3A_152 = tpu.matmul %get3A_147, %get3A_150, %dot_general3A_151 {dimension_numbers = #tpu.dot_dimension_numbers<[1], [0], [0], [1], [0, 0, 1, 1], [], []>, transpose_lhs_hint = false} : vector<256x1728xf32>, vector<1728x32xf32>, vector<256x32xf32> -> vector<256x32xf32>
    %get3A_153 = arith.constant 0 : index
    %get3A_154 = arith.constant 0 : index
    %get3A_155 = vector.load %arg3[%get3A_153, %get3A_154] : memref<1x32xf32, #tpu.memory_space<vmem>>, vector<1x32xf32>
    %add3A_156 = vector.broadcast %get3A_155 : vector<1x32xf32> to vector<256x32xf32>
    %add3A_157 = arith.addf %dot_general3A_152, %add3A_156 : vector<256x32xf32>
    %jit3A_158 = arith.constant 0 : i32
    %convert_element_type3A_159 = arith.sitofp %jit3A_158 : i32 to f32
    %pad3A_160 = vector.broadcast %convert_element_type3A_159 : f32 to vector<256x96xf32>
    %pad3A_161 = tpu.concatenate %add3A_157, %pad3A_160 in 1 : vector<256x32xf32>, vector<256x96xf32> -> vector<256x128xf32>
    %swap3A_162 = arith.constant 5 : index
    %swap3A_163 = arith.constant 0 : index
    %swap3A_164 = arith.constant 0 : index
    %swap3A_165 = vector.load %arg6[%swap3A_162, %swap3A_163, %swap3A_164] : memref<8x256x128xf32, #tpu.memory_space<vmem>>, vector<1x256x128xf32>
    %swap3A_166 = vector.shape_cast %swap3A_165 : vector<1x256x128xf32> to vector<256x128xf32>
    %swap3A_167 = vector.shape_cast %pad3A_161 : vector<256x128xf32> to vector<1x256x128xf32>
    tpu.vector_store %arg6[%swap3A_162, %swap3A_163, %swap3A_164], %swap3A_167 {strides = array<i32>} : memref<8x256x128xf32, #tpu.memory_space<vmem>>, vector<1x256x128xf32>,
    %get3A_168 = arith.constant 0 : index
    %get3A_169 = arith.constant 0 : index
    %get3A_170 = vector.load %arg4[%get3A_168, %get3A_169] : memref<64x32xf32, #tpu.memory_space<vmem>>, vector<64x32xf32>
    %dot_general3A_171 = arith.constant dense<0.000000e+00> : vector<64x256xf32>
    %dot_general3A_172 = tpu.matmul %get3A_170, %add3A_157, %dot_general3A_171 {dimension_numbers = #tpu.dot_dimension_numbers<[1], [1], [0], [0], [0, 0, 1, 0], [], []>, transpose_lhs_hint = false} : vector<64x32xf32>, vector<256x32xf32>, vector<64x256xf32> -> vector<64x256xf32>
    %get3A_173 = arith.constant 6 : index
    %get3A_174 = arith.constant 0 : index
    %get3A_175 = arith.constant 0 : index
    %get3A_176 = vector.load %arg1[%get3A_173, %get3A_174, %get3A_175] : memref<8x256x1728xf32, #tpu.memory_space<vmem>>, vector<1x256x1728xf32>
    %get3A_177 = vector.shape_cast %get3A_176 : vector<1x256x1728xf32> to vector<256x1728xf32>
    %get3A_178 = arith.constant 0 : index
    %get3A_179 = arith.constant 0 : index
    %get3A_180 = vector.load %arg2[%get3A_178, %get3A_179] : memref<1728x32xf32, #tpu.memory_space<vmem>>, vector<1728x32xf32>
    %dot_general3A_181 = arith.constant dense<0.000000e+00> : vector<256x32xf32>
    %dot_general3A_182 = tpu.matmul %get3A_177, %get3A_180, %dot_general3A_181 {dimension_numbers = #tpu.dot_dimension_numbers<[1], [0], [0], [1], [0, 0, 1, 1], [], []>, transpose_lhs_hint = false} : vector<256x1728xf32>, vector<1728x32xf32>, vector<256x32xf32> -> vector<256x32xf32>
    %get3A_183 = arith.constant 0 : index
    %get3A_184 = arith.constant 0 : index
    %get3A_185 = vector.load %arg3[%get3A_183, %get3A_184] : memref<1x32xf32, #tpu.memory_space<vmem>>, vector<1x32xf32>
    %add3A_186 = vector.broadcast %get3A_185 : vector<1x32xf32> to vector<256x32xf32>
    %add3A_187 = arith.addf %dot_general3A_182, %add3A_186 : vector<256x32xf32>
    %jit3A_188 = arith.constant 0 : i32
    %convert_element_type3A_189 = arith.sitofp %jit3A_188 : i32 to f32
    %pad3A_190 = vector.broadcast %convert_element_type3A_189 : f32 to vector<256x96xf32>
    %pad3A_191 = tpu.concatenate %add3A_187, %pad3A_190 in 1 : vector<256x32xf32>, vector<256x96xf32> -> vector<256x128xf32>
    %swap3A_192 = arith.constant 6 : index
    %swap3A_193 = arith.constant 0 : index
    %swap3A_194 = arith.constant 0 : index
    %swap3A_195 = vector.load %arg6[%swap3A_192, %swap3A_193, %swap3A_194] : memref<8x256x128xf32, #tpu.memory_space<vmem>>, vector<1x256x128xf32>
    %swap3A_196 = vector.shape_cast %swap3A_195 : vector<1x256x128xf32> to vector<256x128xf32>
    %swap3A_197 = vector.shape_cast %pad3A_191 : vector<256x128xf32> to vector<1x256x128xf32>
    tpu.vector_store %arg6[%swap3A_192, %swap3A_193, %swap3A_194], %swap3A_197 {strides = array<i32>} : memref<8x256x128xf32, #tpu.memory_space<vmem>>, vector<1x256x128xf32>,
    %get3A_198 = arith.constant 0 : index
    %get3A_199 = arith.constant 0 : index
    %get3A_200 = vector.load %arg4[%get3A_198, %get3A_199] : memref<64x32xf32, #tpu.memory_space<vmem>>, vector<64x32xf32>
    %dot_general3A_201 = arith.constant dense<0.000000e+00> : vector<64x256xf32>
    %dot_general3A_202 = tpu.matmul %get3A_200, %add3A_187, %dot_general3A_201 {dimension_numbers = #tpu.dot_dimension_numbers<[1], [1], [0], [0], [0, 0, 1, 0], [], []>, transpose_lhs_hint = false} : vector<64x32xf32>, vector<256x32xf32>, vector<64x256xf32> -> vector<64x256xf32>
    %get3A_203 = arith.constant 7 : index
    %get3A_204 = arith.constant 0 : index
    %get3A_205 = arith.constant 0 : index
    %get3A_206 = vector.load %arg1[%get3A_203, %get3A_204, %get3A_205] : memref<8x256x1728xf32, #tpu.memory_space<vmem>>, vector<1x256x1728xf32>
    %get3A_207 = vector.shape_cast %get3A_206 : vector<1x256x1728xf32> to vector<256x1728xf32>
    %get3A_208 = arith.constant 0 : index
    %get3A_209 = arith.constant 0 : index
    %get3A_210 = vector.load %arg2[%get3A_208, %get3A_209] : memref<1728x32xf32, #tpu.memory_space<vmem>>, vector<1728x32xf32>
    %dot_general3A_211 = arith.constant dense<0.000000e+00> : vector<256x32xf32>
    %dot_general3A_212 = tpu.matmul %get3A_207, %get3A_210, %dot_general3A_211 {dimension_numbers = #tpu.dot_dimension_numbers<[1], [0], [0], [1], [0, 0, 1, 1], [], []>, transpose_lhs_hint = false} : vector<256x1728xf32>, vector<1728x32xf32>, vector<256x32xf32> -> vector<256x32xf32>
    %get3A_213 = arith.constant 0 : index
    %get3A_214 = arith.constant 0 : index
    %get3A_215 = vector.load %arg3[%get3A_213, %get3A_214] : memref<1x32xf32, #tpu.memory_space<vmem>>, vector<1x32xf32>
    %add3A_216 = vector.broadcast %get3A_215 : vector<1x32xf32> to vector<256x32xf32>
    %add3A_217 = arith.addf %dot_general3A_212, %add3A_216 : vector<256x32xf32>
    %jit3A_218 = arith.constant 0 : i32
    %convert_element_type3A_219 = arith.sitofp %jit3A_218 : i32 to f32
    %pad3A_220 = vector.broadcast %convert_element_type3A_219 : f32 to vector<256x96xf32>
    %pad3A_221 = tpu.concatenate %add3A_217, %pad3A_220 in 1 : vector<256x32xf32>, vector<256x96xf32> -> vector<256x128xf32>
    %swap3A_222 = arith.constant 7 : index
    %swap3A_223 = arith.constant 0 : index
    %swap3A_224 = arith.constant 0 : index
    %swap3A_225 = vector.load %arg6[%swap3A_222, %swap3A_223, %swap3A_224] : memref<8x256x128xf32, #tpu.memory_space<vmem>>, vector<1x256x128xf32>
    %swap3A_226 = vector.shape_cast %swap3A_225 : vector<1x256x128xf32> to vector<256x128xf32>
    %swap3A_227 = vector.shape_cast %pad3A_221 : vector<256x128xf32> to vector<1x256x128xf32>
    tpu.vector_store %arg6[%swap3A_222, %swap3A_223, %swap3A_224], %swap3A_227 {strides = array<i32>} : memref<8x256x128xf32, #tpu.memory_space<vmem>>, vector<1x256x128xf32>,
    %get3A_228 = arith.constant 0 : index
    %get3A_229 = arith.constant 0 : index
    %get3A_230 = vector.load %arg4[%get3A_228, %get3A_229] : memref<64x32xf32, #tpu.memory_space<vmem>>, vector<64x32xf32>
    %dot_general3A_231 = arith.constant dense<0.000000e+00> : vector<64x256xf32>
    %dot_general3A_232 = tpu.matmul %get3A_230, %add3A_217, %dot_general3A_231 {dimension_numbers = #tpu.dot_dimension_numbers<[1], [1], [0], [0], [0, 0, 1, 0], [], []>, transpose_lhs_hint = false} : vector<64x32xf32>, vector<256x32xf32>, vector<64x256xf32> -> vector<64x256xf32>
    %concatenate3A = tpu.concatenate %dot_general3A_22, %dot_general3A_52, %dot_general3A_82, %dot_general3A_112, %dot_general3A_142, %dot_general3A_172, %dot_general3A_202, %dot_general3A_232 in 0 : vector<64x256xf32>, vector<64x256xf32>, vector<64x256xf32>, vector<64x256xf32>, vector<64x256xf32>, vector<64x256xf32>, vector<64x256xf32>, vector<64x256xf32> -> vector<512x256xf32>
    %get3A_233 = arith.constant 0 : index
    %get3A_234 = arith.constant 0 : index
    %get3A_235 = vector.load %arg5[%get3A_233, %get3A_234] : memref<64x1xf32, #tpu.memory_space<vmem>>, vector<64x1xf32>
    %concatenate3A_236 = tpu.concatenate %get3A_235, %get3A_235, %get3A_235, %get3A_235, %get3A_235, %get3A_235, %get3A_235, %get3A_235 in 0 : vector<64x1xf32>, vector<64x1xf32>, vector<64x1xf32>, vector<64x1xf32>, vector<64x1xf32>, vector<64x1xf32>, vector<64x1xf32>, vector<64x1xf32> -> vector<512x1xf32>
    %add3A_237 = vector.broadcast %concatenate3A_236 : vector<512x1xf32> to vector<512x256xf32>
    %add3A_238 = arith.addf %concatenate3A, %add3A_237 : vector<512x256xf32>
    %reduce_max3A = arith.constant dense<0xFF800000> : vector<512xf32>
    %reduce_max3A_239 = vector.multi_reduction <maximumf>, %add3A_238, %reduce_max3A [1] : vector<512x256xf32> to vector<512xf32>
    %broadcast_in_dim3A = vector.shape_cast %reduce_max3A_239 : vector<512xf32> to vector<512x1xf32>
    %sub3A = vector.broadcast %broadcast_in_dim3A : vector<512x1xf32> to vector<512x256xf32>
    %sub3A_240 = arith.subf %add3A_238, %sub3A : vector<512x256xf32>
    %exp3A = math.exp %sub3A_240 : vector<512x256xf32>
    %reduce_sum3A = arith.constant dense<0.000000e+00> : vector<512xf32>
    %reduce_sum3A_241 = vector.multi_reduction <add>, %exp3A, %reduce_sum3A [1] : vector<512x256xf32> to vector<512xf32>
    %broadcast_in_dim3A_242 = vector.shape_cast %reduce_sum3A_241 : vector<512xf32> to vector<512x1xf32>
    %div3A = vector.broadcast %broadcast_in_dim3A_242 : vector<512x1xf32> to vector<512x256xf32>
    %div3A_243 = arith.divf %exp3A, %div3A : vector<512x256xf32>
    %iota3A = tpu.iota {dimensions = array<i32: 1>} : vector<512x256xi32>
    %convert_element_type3A_244 = arith.sitofp %iota3A : vector<512x256xi32> to vector<512x256xf32>
    %reduce_max3A_245 = arith.constant dense<0xFF800000> : vector<512xf32>
    %reduce_max3A_246 = vector.multi_reduction <maximumf>, %div3A_243, %reduce_max3A_245 [1] : vector<512x256xf32> to vector<512xf32>
    %broadcast_in_dim3A_247 = vector.shape_cast %reduce_max3A_246 : vector<512xf32> to vector<512x1xf32>
    %eq3A = vector.broadcast %broadcast_in_dim3A_247 : vector<512x1xf32> to vector<512x256xf32>
    %eq3A_248 = arith.cmpf oeq, %div3A_243, %eq3A : vector<512x256xf32>
    %jit3A_249 = arith.constant 2.560000e+02 : f32
    %broadcast_in_dim3A_250 = vector.broadcast %jit3A_249 : f32 to vector<512x256xf32>
    %select_n3A = arith.select %eq3A_248, %convert_element_type3A_244, %broadcast_in_dim3A_250 : vector<512x256xi1>, vector<512x256xf32>
    %reduce_min3A = arith.constant dense<0x7F800000> : vector<512xf32>
    %reduce_min3A_251 = vector.multi_reduction <minimumf>, %select_n3A, %reduce_min3A [1] : vector<512x256xf32> to vector<512xf32>
    %broadcast_in_dim3A_252 = vector.shape_cast %reduce_min3A_251 : vector<512xf32> to vector<512x1xf32>
    %eq3A_253 = vector.broadcast %broadcast_in_dim3A_252 : vector<512x1xf32> to vector<512x256xf32>
    %eq3A_254 = arith.cmpf oeq, %convert_element_type3A_244, %eq3A_253 : vector<512x256xf32>
    %jit3A_255 = arith.constant 0.000000e+00 : f32
    %broadcast_in_dim3A_256 = vector.broadcast %jit3A_255 : f32 to vector<512x256xf32>
    %select_n3A_257 = arith.select %eq3A_254, %broadcast_in_dim3A_256, %div3A_243 : vector<512x256xi1>, vector<512x256xf32>
    %reduce_max3A_258 = arith.constant dense<0xFF800000> : vector<512xf32>
    %reduce_max3A_259 = vector.multi_reduction <maximumf>, %select_n3A_257, %reduce_max3A_258 [1] : vector<512x256xf32> to vector<512xf32>
    %broadcast_in_dim3A_260 = vector.shape_cast %reduce_max3A_259 : vector<512xf32> to vector<512x1xf32>
    %eq3A_261 = vector.broadcast %broadcast_in_dim3A_260 : vector<512x1xf32> to vector<512x256xf32>
    %eq3A_262 = arith.cmpf oeq, %select_n3A_257, %eq3A_261 : vector<512x256xf32>
    %jit3A_263 = arith.constant 2.560000e+02 : f32
    %broadcast_in_dim3A_264 = vector.broadcast %jit3A_263 : f32 to vector<512x256xf32>
    %select_n3A_265 = arith.select %eq3A_262, %convert_element_type3A_244, %broadcast_in_dim3A_264 : vector<512x256xi1>, vector<512x256xf32>
    %reduce_min3A_266 = arith.constant dense<0x7F800000> : vector<512xf32>
    %reduce_min3A_267 = vector.multi_reduction <minimumf>, %select_n3A_265, %reduce_min3A_266 [1] : vector<512x256xf32> to vector<512xf32>
    %broadcast_in_dim3A_268 = vector.shape_cast %reduce_min3A_267 : vector<512xf32> to vector<512x1xf32>
    %eq3A_269 = vector.broadcast %broadcast_in_dim3A_268 : vector<512x1xf32> to vector<512x256xf32>
    %eq3A_270 = arith.cmpf oeq, %convert_element_type3A_244, %eq3A_269 : vector<512x256xf32>
    %jit3A_271 = arith.constant 0.000000e+00 : f32
    %broadcast_in_dim3A_272 = vector.broadcast %jit3A_271 : f32 to vector<512x256xf32>
    %select_n3A_273 = arith.select %eq3A_270, %broadcast_in_dim3A_272, %select_n3A_257 : vector<512x256xi1>, vector<512x256xf32>
    %reduce_max3A_274 = arith.constant dense<0xFF800000> : vector<512xf32>
    %reduce_max3A_275 = vector.multi_reduction <maximumf>, %select_n3A_273, %reduce_max3A_274 [1] : vector<512x256xf32> to vector<512xf32>
    %broadcast_in_dim3A_276 = vector.shape_cast %reduce_max3A_275 : vector<512xf32> to vector<512x1xf32>
    %eq3A_277 = vector.broadcast %broadcast_in_dim3A_276 : vector<512x1xf32> to vector<512x256xf32>
    %eq3A_278 = arith.cmpf oeq, %select_n3A_273, %eq3A_277 : vector<512x256xf32>
    %jit3A_279 = arith.constant 2.560000e+02 : f32
    %broadcast_in_dim3A_280 = vector.broadcast %jit3A_279 : f32 to vector<512x256xf32>
    %select_n3A_281 = arith.select %eq3A_278, %convert_element_type3A_244, %broadcast_in_dim3A_280 : vector<512x256xi1>, vector<512x256xf32>
    %reduce_min3A_282 = arith.constant dense<0x7F800000> : vector<512xf32>
    %reduce_min3A_283 = vector.multi_reduction <minimumf>, %select_n3A_281, %reduce_min3A_282 [1] : vector<512x256xf32> to vector<512xf32>
    %broadcast_in_dim3A_284 = vector.shape_cast %reduce_min3A_283 : vector<512xf32> to vector<512x1xf32>
    %eq3A_285 = vector.broadcast %broadcast_in_dim3A_284 : vector<512x1xf32> to vector<512x256xf32>
    %eq3A_286 = arith.cmpf oeq, %convert_element_type3A_244, %eq3A_285 : vector<512x256xf32>
    %jit3A_287 = arith.constant 0.000000e+00 : f32
    %broadcast_in_dim3A_288 = vector.broadcast %jit3A_287 : f32 to vector<512x256xf32>
    %select_n3A_289 = arith.select %eq3A_286, %broadcast_in_dim3A_288, %select_n3A_273 : vector<512x256xi1>, vector<512x256xf32>
    %reduce_max3A_290 = arith.constant dense<0xFF800000> : vector<512xf32>
    %reduce_max3A_291 = vector.multi_reduction <maximumf>, %select_n3A_289, %reduce_max3A_290 [1] : vector<512x256xf32> to vector<512xf32>
    %broadcast_in_dim3A_292 = vector.shape_cast %reduce_max3A_291 : vector<512xf32> to vector<512x1xf32>
    %eq3A_293 = vector.broadcast %broadcast_in_dim3A_292 : vector<512x1xf32> to vector<512x256xf32>
    %eq3A_294 = arith.cmpf oeq, %select_n3A_289, %eq3A_293 : vector<512x256xf32>
    %jit3A_295 = arith.constant 2.560000e+02 : f32
    %broadcast_in_dim3A_296 = vector.broadcast %jit3A_295 : f32 to vector<512x256xf32>
    %select_n3A_297 = arith.select %eq3A_294, %convert_element_type3A_244, %broadcast_in_dim3A_296 : vector<512x256xi1>, vector<512x256xf32>
    %reduce_min3A_298 = arith.constant dense<0x7F800000> : vector<512xf32>
    %reduce_min3A_299 = vector.multi_reduction <minimumf>, %select_n3A_297, %reduce_min3A_298 [1] : vector<512x256xf32> to vector<512xf32>
    %broadcast_in_dim3A_300 = vector.shape_cast %reduce_min3A_299 : vector<512xf32> to vector<512x1xf32>
    %eq3A_301 = vector.broadcast %broadcast_in_dim3A_300 : vector<512x1xf32> to vector<512x256xf32>
    %eq3A_302 = arith.cmpf oeq, %convert_element_type3A_244, %eq3A_301 : vector<512x256xf32>
    %jit3A_303 = arith.constant 0.000000e+00 : f32
    %broadcast_in_dim3A_304 = vector.broadcast %jit3A_303 : f32 to vector<512x256xf32>
    %select_n3A_305 = arith.select %eq3A_302, %broadcast_in_dim3A_304, %select_n3A_289 : vector<512x256xi1>, vector<512x256xf32>
    %reduce_max3A_306 = arith.constant dense<0xFF800000> : vector<512xf32>
    %reduce_max3A_307 = vector.multi_reduction <maximumf>, %select_n3A_305, %reduce_max3A_306 [1] : vector<512x256xf32> to vector<512xf32>
    %broadcast_in_dim3A_308 = vector.shape_cast %reduce_max3A_307 : vector<512xf32> to vector<512x1xf32>
    %eq3A_309 = vector.broadcast %broadcast_in_dim3A_308 : vector<512x1xf32> to vector<512x256xf32>
    %eq3A_310 = arith.cmpf oeq, %select_n3A_305, %eq3A_309 : vector<512x256xf32>
    %jit3A_311 = arith.constant 2.560000e+02 : f32
    %broadcast_in_dim3A_312 = vector.broadcast %jit3A_311 : f32 to vector<512x256xf32>
    %select_n3A_313 = arith.select %eq3A_310, %convert_element_type3A_244, %broadcast_in_dim3A_312 : vector<512x256xi1>, vector<512x256xf32>
    %reduce_min3A_314 = arith.constant dense<0x7F800000> : vector<512xf32>
    %reduce_min3A_315 = vector.multi_reduction <minimumf>, %select_n3A_313, %reduce_min3A_314 [1] : vector<512x256xf32> to vector<512xf32>
    %broadcast_in_dim3A_316 = vector.shape_cast %reduce_min3A_315 : vector<512xf32> to vector<512x1xf32>
    %eq3A_317 = vector.broadcast %broadcast_in_dim3A_316 : vector<512x1xf32> to vector<512x256xf32>
    %eq3A_318 = arith.cmpf oeq, %convert_element_type3A_244, %eq3A_317 : vector<512x256xf32>
    %jit3A_319 = arith.constant 0.000000e+00 : f32
    %broadcast_in_dim3A_320 = vector.broadcast %jit3A_319 : f32 to vector<512x256xf32>
    %select_n3A_321 = arith.select %eq3A_318, %broadcast_in_dim3A_320, %select_n3A_305 : vector<512x256xi1>, vector<512x256xf32>
    %reduce_max3A_322 = arith.constant dense<0xFF800000> : vector<512xf32>
    %reduce_max3A_323 = vector.multi_reduction <maximumf>, %select_n3A_321, %reduce_max3A_322 [1] : vector<512x256xf32> to vector<512xf32>
    %broadcast_in_dim3A_324 = vector.shape_cast %reduce_max3A_323 : vector<512xf32> to vector<512x1xf32>
    %eq3A_325 = vector.broadcast %broadcast_in_dim3A_324 : vector<512x1xf32> to vector<512x256xf32>
    %eq3A_326 = arith.cmpf oeq, %select_n3A_321, %eq3A_325 : vector<512x256xf32>
    %jit3A_327 = arith.constant 2.560000e+02 : f32
    %broadcast_in_dim3A_328 = vector.broadcast %jit3A_327 : f32 to vector<512x256xf32>
    %select_n3A_329 = arith.select %eq3A_326, %convert_element_type3A_244, %broadcast_in_dim3A_328 : vector<512x256xi1>, vector<512x256xf32>
    %reduce_min3A_330 = arith.constant dense<0x7F800000> : vector<512xf32>
    %reduce_min3A_331 = vector.multi_reduction <minimumf>, %select_n3A_329, %reduce_min3A_330 [1] : vector<512x256xf32> to vector<512xf32>
    %broadcast_in_dim3A_332 = vector.shape_cast %reduce_min3A_331 : vector<512xf32> to vector<512x1xf32>
    %eq3A_333 = vector.broadcast %broadcast_in_dim3A_332 : vector<512x1xf32> to vector<512x256xf32>
    %eq3A_334 = arith.cmpf oeq, %convert_element_type3A_244, %eq3A_333 : vector<512x256xf32>
    %jit3A_335 = arith.constant 0.000000e+00 : f32
    %broadcast_in_dim3A_336 = vector.broadcast %jit3A_335 : f32 to vector<512x256xf32>
    %select_n3A_337 = arith.select %eq3A_334, %broadcast_in_dim3A_336, %select_n3A_321 : vector<512x256xi1>, vector<512x256xf32>
    %reduce_max3A_338 = arith.constant dense<0xFF800000> : vector<512xf32>
    %reduce_max3A_339 = vector.multi_reduction <maximumf>, %select_n3A_337, %reduce_max3A_338 [1] : vector<512x256xf32> to vector<512xf32>
    %broadcast_in_dim3A_340 = vector.shape_cast %reduce_max3A_339 : vector<512xf32> to vector<512x1xf32>
    %eq3A_341 = vector.broadcast %broadcast_in_dim3A_340 : vector<512x1xf32> to vector<512x256xf32>
    %eq3A_342 = arith.cmpf oeq, %select_n3A_337, %eq3A_341 : vector<512x256xf32>
    %jit3A_343 = arith.constant 2.560000e+02 : f32
    %broadcast_in_dim3A_344 = vector.broadcast %jit3A_343 : f32 to vector<512x256xf32>
    %select_n3A_345 = arith.select %eq3A_342, %convert_element_type3A_244, %broadcast_in_dim3A_344 : vector<512x256xi1>, vector<512x256xf32>
    %reduce_min3A_346 = arith.constant dense<0x7F800000> : vector<512xf32>
    %reduce_min3A_347 = vector.multi_reduction <minimumf>, %select_n3A_345, %reduce_min3A_346 [1] : vector<512x256xf32> to vector<512xf32>
    %broadcast_in_dim3A_348 = vector.shape_cast %reduce_min3A_347 : vector<512xf32> to vector<512x1xf32>
    %eq3A_349 = vector.broadcast %broadcast_in_dim3A_348 : vector<512x1xf32> to vector<512x256xf32>
    %eq3A_350 = arith.cmpf oeq, %convert_element_type3A_244, %eq3A_349 : vector<512x256xf32>
    %jit3A_351 = arith.constant 0.000000e+00 : f32
    %broadcast_in_dim3A_352 = vector.broadcast %jit3A_351 : f32 to vector<512x256xf32>
    %select_n3A_353 = arith.select %eq3A_350, %broadcast_in_dim3A_352, %select_n3A_337 : vector<512x256xi1>, vector<512x256xf32>
    %reduce_max3A_354 = arith.constant dense<0xFF800000> : vector<512xf32>
    %reduce_max3A_355 = vector.multi_reduction <maximumf>, %select_n3A_353, %reduce_max3A_354 [1] : vector<512x256xf32> to vector<512xf32>
    %broadcast_in_dim3A_356 = vector.shape_cast %reduce_max3A_355 : vector<512xf32> to vector<512x1xf32>
    %eq3A_357 = vector.broadcast %broadcast_in_dim3A_356 : vector<512x1xf32> to vector<512x256xf32>
    %eq3A_358 = arith.cmpf oeq, %select_n3A_353, %eq3A_357 : vector<512x256xf32>
    %jit3A_359 = arith.constant 2.560000e+02 : f32
    %broadcast_in_dim3A_360 = vector.broadcast %jit3A_359 : f32 to vector<512x256xf32>
    %select_n3A_361 = arith.select %eq3A_358, %convert_element_type3A_244, %broadcast_in_dim3A_360 : vector<512x256xi1>, vector<512x256xf32>
    %reduce_min3A_362 = arith.constant dense<0x7F800000> : vector<512xf32>
    %reduce_min3A_363 = vector.multi_reduction <minimumf>, %select_n3A_361, %reduce_min3A_362 [1] : vector<512x256xf32> to vector<512xf32>
    %broadcast_in_dim3A_364 = vector.shape_cast %reduce_min3A_363 : vector<512xf32> to vector<512x1xf32>
    %concatenate3A_365 = tpu.concatenate %broadcast_in_dim3A_247, %broadcast_in_dim3A_260, %broadcast_in_dim3A_276, %broadcast_in_dim3A_292, %broadcast_in_dim3A_308, %broadcast_in_dim3A_324, %broadcast_in_dim3A_340, %broadcast_in_dim3A_356 in 1 : vector<512x1xf32>, vector<512x1xf32>, vector<512x1xf32>, vector<512x1xf32>, vector<512x1xf32>, vector<512x1xf32>, vector<512x1xf32>, vector<512x1xf32> -> vector<512x8xf32>
    %swap3A_366 = arith.constant 0 : index
    %swap3A_367 = arith.constant 0 : index
    %swap3A_368 = vector.load %arg8[%swap3A_366, %swap3A_367] : memref<512x8xf32, #tpu.memory_space<vmem>>, vector<512x8xf32>
    tpu.vector_store %arg8[%swap3A_366, %swap3A_367], %concatenate3A_365 {strides = array<i32>} : memref<512x8xf32, #tpu.memory_space<vmem>>, vector<512x8xf32>,
    %concatenate3A_369 = tpu.concatenate %broadcast_in_dim3A_252, %broadcast_in_dim3A_268, %broadcast_in_dim3A_284, %broadcast_in_dim3A_300, %broadcast_in_dim3A_316, %broadcast_in_dim3A_332, %broadcast_in_dim3A_348, %broadcast_in_dim3A_364 in 1 : vector<512x1xf32>, vector<512x1xf32>, vector<512x1xf32>, vector<512x1xf32>, vector<512x1xf32>, vector<512x1xf32>, vector<512x1xf32>, vector<512x1xf32> -> vector<512x8xf32>
    %convert_element_type3A_370 = arith.fptosi %concatenate3A_369 : vector<512x8xf32> to vector<512x8xi32>
    %iota3A_371 = tpu.iota {dimensions = array<i32: 0>} : vector<512x8xi32>
    %jit3A_372 = arith.constant 64 : i32
    %div3A_373 = vector.broadcast %jit3A_372 : i32 to vector<512x8xi32>
    %div3A_374 = arith.divsi %iota3A_371, %div3A_373 : vector<512x8xi32>
    %sign3A = arith.constant 0 : i32
    %sign3A_375 = vector.broadcast %sign3A : i32 to vector<512x8xi32>
    %sign3A_376 = arith.cmpi sgt, %iota3A_371, %sign3A_375 : vector<512x8xi32>
    %sign3A_377 = arith.extui %sign3A_376 : vector<512x8xi1> to vector<512x8xi32>
    %sign3A_378 = arith.constant 0 : i32
    %sign3A_379 = vector.broadcast %sign3A_378 : i32 to vector<512x8xi32>
    %sign3A_380 = arith.cmpi slt, %iota3A_371, %sign3A_379 : vector<512x8xi32>
    %sign3A_381 = arith.extui %sign3A_380 : vector<512x8xi1> to vector<512x8xi32>
    %sign3A_382 = arith.subi %sign3A_377, %sign3A_381 : vector<512x8xi32>
    %sign3A_383 = arith.constant 0 : i32
    %sign3A_384 = arith.cmpi sgt, %jit3A_372, %sign3A_383 : i32
    %sign3A_385 = arith.extui %sign3A_384 : i1 to i32
    %sign3A_386 = arith.constant 0 : i32
    %sign3A_387 = arith.cmpi slt, %jit3A_372, %sign3A_386 : i32
    %sign3A_388 = arith.extui %sign3A_387 : i1 to i32
    %sign3A_389 = arith.subi %sign3A_385, %sign3A_388 : i32
    %ne3A = vector.broadcast %sign3A_389 : i32 to vector<512x8xi32>
    %ne3A_390 = arith.cmpi ne, %sign3A_382, %ne3A : vector<512x8xi32>
    %rem3A = vector.broadcast %jit3A_372 : i32 to vector<512x8xi32>
    %rem3A_391 = arith.remsi %iota3A_371, %rem3A : vector<512x8xi32>
    %ne3A_392 = arith.constant 0 : i32
    %ne3A_393 = vector.broadcast %ne3A_392 : i32 to vector<512x8xi32>
    %ne3A_394 = arith.cmpi ne, %rem3A_391, %ne3A_393 : vector<512x8xi32>
    %and3A = arith.andi %ne3A_390, %ne3A_394 : vector<512x8xi1>
    %sub3A_395 = arith.constant 1 : i32
    %sub3A_396 = vector.broadcast %sub3A_395 : i32 to vector<512x8xi32>
    %sub3A_397 = arith.subi %div3A_374, %sub3A_396 : vector<512x8xi32>
    %select_n3A_398 = arith.select %and3A, %sub3A_397, %div3A_374 : vector<512x8xi1>, vector<512x8xi32>
    %mul3A = arith.constant 8 : i32
    %mul3A_399 = arith.muli %arg0, %mul3A : i32
    %add3A_400 = vector.broadcast %mul3A_399 : i32 to vector<512x8xi32>
    %add3A_401 = arith.addi %add3A_400, %select_n3A_398 : vector<512x8xi32>
    %mul3A_402 = arith.constant 256 : i32
    %mul3A_403 = vector.broadcast %mul3A_402 : i32 to vector<512x8xi32>
    %mul3A_404 = arith.muli %mul3A_403, %add3A_401 : vector<512x8xi32>
    %add3A_405 = arith.addi %convert_element_type3A_370, %mul3A_404 : vector<512x8xi32>
    %swap3A_406 = arith.constant 0 : index
    %swap3A_407 = arith.constant 0 : index
    %swap3A_408 = vector.load %arg7[%swap3A_406, %swap3A_407] : memref<512x8xi32, #tpu.memory_space<vmem>>, vector<512x8xi32>
    tpu.vector_store %arg7[%swap3A_406, %swap3A_407], %add3A_405 {strides = array<i32>} : memref<512x8xi32, #tpu.memory_space<vmem>>, vector<512x8xi32>,
    return
  }
  func.func @transform_0(%arg0: i32) -> (i32, i32, i32) {
    %c0_i32 = arith.constant 0 : i32
    %c0_i32_0 = arith.constant 0 : i32
    %c0_i32_1 = arith.constant 0 : i32
    return %arg0, %c0_i32, %c0_i32_0 : i32, i32, i32
  }
  func.func @transform_1(%arg0: i32) -> (i32, i32) {
    %c0_i32 = arith.constant 0 : i32
    %c0_i32_0 = arith.constant 0 : i32
    %c0_i32_1 = arith.constant 0 : i32
    return %c0_i32, %c0_i32_0 : i32, i32
  }
  func.func @transform_2(%arg0: i32) -> (i32, i32) {
    %c0_i32 = arith.constant 0 : i32
    %c0_i32_0 = arith.constant 0 : i32
    %c0_i32_1 = arith.constant 0 : i32
    return %c0_i32, %c0_i32_0 : i32, i32
  }
  func.func @transform_3(%arg0: i32) -> (i32, i32) {
    %c0_i32 = arith.constant 0 : i32
    %c0_i32_0 = arith.constant 0 : i32
    %c0_i32_1 = arith.constant 0 : i32
    return %c0_i32, %c0_i32_0 : i32, i32
  }
  func.func @transform_4(%arg0: i32) -> (i32, i32) {
    %c0_i32 = arith.constant 0 : i32
    %c0_i32_0 = arith.constant 0 : i32
    %c0_i32_1 = arith.constant 0 : i32
    return %c0_i32, %c0_i32_0 : i32, i32
  }
  func.func @transform_5(%arg0: i32) -> (i32, i32, i32) {
    %c0_i32 = arith.constant 0 : i32
    %c0_i32_0 = arith.constant 0 : i32
    %c0_i32_1 = arith.constant 0 : i32
    return %arg0, %c0_i32, %c0_i32_0 : i32, i32, i32
  }
  func.func @transform_6(%arg0: i32) -> (i32, i32) {
    %c0_i32 = arith.constant 0 : i32
    %c0_i32_0 = arith.constant 0 : i32
    return %arg0, %c0_i32 : i32, i32
  }
  func.func @transform_7(%arg0: i32) -> (i32, i32) {
    %c0_i32 = arith.constant 0 : i32
    %c0_i32_0 = arith.constant 0 : i32
    return %arg0, %c0_i32 : i32, i32
  }
}

module attributes {stable_mosaic.version = 14 : i64} {
  func.func @_expert_kernel(%arg0: i32, %arg1: memref<64x8x1024xf32, #tpu.memory_space<vmem>>, %arg2: memref<64x8x8xf32, #tpu.memory_space<vmem>>, %arg3: memref<8x264x24xf32, #tpu.memory_space<vmem>>, %arg4: memref<8x1x24xf32, #tpu.memory_space<vmem>>, %arg5: memref<32x128xf32, #tpu.memory_space<vmem>>, %arg6: memref<1x128xf32, #tpu.memory_space<vmem>>, %arg7: memref<128x128xf32, #tpu.memory_space<vmem>>, %arg8: memref<1x128xf32, #tpu.memory_space<vmem>>, %arg9: memref<8x128x128xf32, #tpu.memory_space<vmem>>, %arg10: memref<1x128xf32, #tpu.memory_space<vmem>>, %arg11: memref<128x128xf32, #tpu.memory_space<vmem>>, %arg12: memref<1x128xf32, #tpu.memory_space<vmem>>, %arg13: memref<128x10xf32, #tpu.memory_space<vmem>>, %arg14: memref<1x10xf32, #tpu.memory_space<vmem>>, %arg15: memref<64x10xf32, #tpu.memory_space<vmem>>, %arg16: memref<64x128xf32, #tpu.memory_space<vmem>>) attributes {dimension_semantics = [#tpu.dimension_semantics<arbitrary>], iteration_bounds = array<i64: 8>, scalar_prefetch = 0 : i64, scratch_operands = 1 : i64, tpu.core_type = #tpu.core_type<tc>, window_params = [{transform_indices = @transform_0, window_bounds = array<i64: 64, 8, 1024>}, {transform_indices = @transform_1, window_bounds = array<i64: 64, 8, 8>}, {transform_indices = @transform_2, window_bounds = array<i64: 8, 264, 24>}, {transform_indices = @transform_3, window_bounds = array<i64: 8, 1, 24>}, {pipeline_mode = #tpu.pipeline_mode<synchronous>, transform_indices = @transform_4, window_bounds = array<i64: 32, 128>}, {pipeline_mode = #tpu.pipeline_mode<synchronous>, transform_indices = @transform_5, window_bounds = array<i64: 1, 128>}, {pipeline_mode = #tpu.pipeline_mode<synchronous>, transform_indices = @transform_6, window_bounds = array<i64: 128, 128>}, {pipeline_mode = #tpu.pipeline_mode<synchronous>, transform_indices = @transform_7, window_bounds = array<i64: 1, 128>}, {transform_indices = @transform_8, window_bounds = array<i64: 8, 128, 128>}, {pipeline_mode = #tpu.pipeline_mode<synchronous>, transform_indices = @transform_9, window_bounds = array<i64: 1, 128>}, {pipeline_mode = #tpu.pipeline_mode<synchronous>, transform_indices = @transform_10, window_bounds = array<i64: 128, 128>}, {pipeline_mode = #tpu.pipeline_mode<synchronous>, transform_indices = @transform_11, window_bounds = array<i64: 1, 128>}, {pipeline_mode = #tpu.pipeline_mode<synchronous>, transform_indices = @transform_12, window_bounds = array<i64: 128, 10>}, {pipeline_mode = #tpu.pipeline_mode<synchronous>, transform_indices = @transform_13, window_bounds = array<i64: 1, 10>}, {pipeline_mode = #tpu.pipeline_mode<synchronous>, transform_indices = @transform_14, window_bounds = array<i64: 64, 10>}]} {
    %iota3A = tpu.iota {dimensions = array<i32: 1>} : vector<8x256xi32>
    %jit3A = arith.constant 32 : i32
    %div3A = vector.broadcast %jit3A : i32 to vector<8x256xi32>
    %div3A_0 = arith.divsi %iota3A, %div3A : vector<8x256xi32>
    %sign3A = arith.constant 0 : i32
    %sign3A_1 = vector.broadcast %sign3A : i32 to vector<8x256xi32>
    %sign3A_2 = arith.cmpi sgt, %iota3A, %sign3A_1 : vector<8x256xi32>
    %sign3A_3 = arith.extui %sign3A_2 : vector<8x256xi1> to vector<8x256xi32>
    %sign3A_4 = arith.constant 0 : i32
    %sign3A_5 = vector.broadcast %sign3A_4 : i32 to vector<8x256xi32>
    %sign3A_6 = arith.cmpi slt, %iota3A, %sign3A_5 : vector<8x256xi32>
    %sign3A_7 = arith.extui %sign3A_6 : vector<8x256xi1> to vector<8x256xi32>
    %sign3A_8 = arith.subi %sign3A_3, %sign3A_7 : vector<8x256xi32>
    %sign3A_9 = arith.constant 0 : i32
    %sign3A_10 = arith.cmpi sgt, %jit3A, %sign3A_9 : i32
    %sign3A_11 = arith.extui %sign3A_10 : i1 to i32
    %sign3A_12 = arith.constant 0 : i32
    %sign3A_13 = arith.cmpi slt, %jit3A, %sign3A_12 : i32
    %sign3A_14 = arith.extui %sign3A_13 : i1 to i32
    %sign3A_15 = arith.subi %sign3A_11, %sign3A_14 : i32
    %ne3A = vector.broadcast %sign3A_15 : i32 to vector<8x256xi32>
    %ne3A_16 = arith.cmpi ne, %sign3A_8, %ne3A : vector<8x256xi32>
    %rem3A = vector.broadcast %jit3A : i32 to vector<8x256xi32>
    %rem3A_17 = arith.remsi %iota3A, %rem3A : vector<8x256xi32>
    %ne3A_18 = arith.constant 0 : i32
    %ne3A_19 = vector.broadcast %ne3A_18 : i32 to vector<8x256xi32>
    %ne3A_20 = arith.cmpi ne, %rem3A_17, %ne3A_19 : vector<8x256xi32>
    %and3A = arith.andi %ne3A_16, %ne3A_20 : vector<8x256xi1>
    %sub3A = arith.constant 1 : i32
    %sub3A_21 = vector.broadcast %sub3A : i32 to vector<8x256xi32>
    %sub3A_22 = arith.subi %div3A_0, %sub3A_21 : vector<8x256xi32>
    %select_n3A = arith.select %and3A, %sub3A_22, %div3A_0 : vector<8x256xi1>, vector<8x256xi32>
    %iota3A_23 = tpu.iota {dimensions = array<i32: 0>} : vector<8x256xi32>
    %eq3A = arith.cmpi eq, %select_n3A, %iota3A_23 : vector<8x256xi32>
    %convert_element_type3A = arith.extui %eq3A : vector<8x256xi1> to vector<8x256xi32>
    %convert_element_type3A_24 = arith.sitofp %convert_element_type3A : vector<8x256xi32> to vector<8x256xf32>
    %get3A = arith.constant 0 : index
    %get3A_25 = arith.constant 0 : index
    %get3A_26 = arith.constant 0 : index
    %get3A_27 = vector.load %arg2[%get3A, %get3A_25, %get3A_26] : memref<64x8x8xf32, #tpu.memory_space<vmem>>, vector<64x1x8xf32>
    %get3A_28 = vector.shape_cast %get3A_27 : vector<64x1x8xf32> to vector<64x8xf32>
    %dot_general3A = arith.constant dense<0.000000e+00> : vector<64x256xf32>
    %dot_general3A_29 = tpu.matmul %get3A_28, %convert_element_type3A_24, %dot_general3A {dimension_numbers = #tpu.dot_dimension_numbers<[1], [0], [0], [1], [0, 0, 1, 1], [], []>, transpose_lhs_hint = false} : vector<64x8xf32>, vector<8x256xf32>, vector<64x256xf32> -> vector<64x256xf32>
    %get3A_30 = arith.constant 0 : index
    %get3A_31 = arith.constant 0 : index
    %get3A_32 = arith.constant 0 : index
    %get3A_33 = vector.load %arg1[%get3A_30, %get3A_31, %get3A_32] : memref<64x8x1024xf32, #tpu.memory_space<vmem>>, vector<64x1x1024xf32>
    %get3A_34 = vector.shape_cast %get3A_33 : vector<64x1x1024xf32> to vector<64x1024xf32>
    %slice3A = vector.extract_strided_slice %get3A_34 {offsets = [0, 0], sizes = [64, 32], strides = [1, 1]} : vector<64x1024xf32> to vector<64x32xf32>
    %slice3A_35 = vector.extract_strided_slice %get3A_34 {offsets = [0, 128], sizes = [64, 32], strides = [1, 1]} : vector<64x1024xf32> to vector<64x32xf32>
    %slice3A_36 = vector.extract_strided_slice %get3A_34 {offsets = [0, 256], sizes = [64, 32], strides = [1, 1]} : vector<64x1024xf32> to vector<64x32xf32>
    %slice3A_37 = vector.extract_strided_slice %get3A_34 {offsets = [0, 384], sizes = [64, 32], strides = [1, 1]} : vector<64x1024xf32> to vector<64x32xf32>
    %slice3A_38 = vector.extract_strided_slice %get3A_34 {offsets = [0, 512], sizes = [64, 32], strides = [1, 1]} : vector<64x1024xf32> to vector<64x32xf32>
    %slice3A_39 = vector.extract_strided_slice %get3A_34 {offsets = [0, 640], sizes = [64, 32], strides = [1, 1]} : vector<64x1024xf32> to vector<64x32xf32>
    %slice3A_40 = vector.extract_strided_slice %get3A_34 {offsets = [0, 768], sizes = [64, 32], strides = [1, 1]} : vector<64x1024xf32> to vector<64x32xf32>
    %slice3A_41 = vector.extract_strided_slice %get3A_34 {offsets = [0, 896], sizes = [64, 32], strides = [1, 1]} : vector<64x1024xf32> to vector<64x32xf32>
    %concatenate3A = tpu.concatenate %slice3A, %slice3A_35, %slice3A_36, %slice3A_37, %slice3A_38, %slice3A_39, %slice3A_40, %slice3A_41 in 1 : vector<64x32xf32>, vector<64x32xf32>, vector<64x32xf32>, vector<64x32xf32>, vector<64x32xf32>, vector<64x32xf32>, vector<64x32xf32>, vector<64x32xf32> -> vector<64x256xf32>
    %mul3A = arith.mulf %concatenate3A, %dot_general3A_29 : vector<64x256xf32>
    %concatenate3A_42 = tpu.concatenate %mul3A, %get3A_28 in 1 : vector<64x256xf32>, vector<64x8xf32> -> vector<64x264xf32>
    %reduce_sum3A = arith.constant dense<0.000000e+00> : vector<64xf32>
    %reduce_sum3A_43 = vector.multi_reduction <add>, %get3A_28, %reduce_sum3A [1] : vector<64x8xf32> to vector<64xf32>
    %broadcast_in_dim3A = vector.shape_cast %reduce_sum3A_43 : vector<64xf32> to vector<64x1xf32>
    %get3A_44 = arith.constant 0 : index
    %get3A_45 = arith.constant 0 : index
    %get3A_46 = arith.constant 0 : index
    %get3A_47 = vector.load %arg3[%get3A_44, %get3A_45, %get3A_46] : memref<8x264x24xf32, #tpu.memory_space<vmem>>, vector<1x264x24xf32>
    %get3A_48 = vector.shape_cast %get3A_47 : vector<1x264x24xf32> to vector<264x24xf32>
    %dot_general3A_49 = arith.constant dense<0.000000e+00> : vector<64x24xf32>
    %dot_general3A_50 = tpu.matmul %concatenate3A_42, %get3A_48, %dot_general3A_49 {dimension_numbers = #tpu.dot_dimension_numbers<[1], [0], [0], [1], [0, 0, 1, 1], [], []>, transpose_lhs_hint = false} : vector<64x264xf32>, vector<264x24xf32>, vector<64x24xf32> -> vector<64x24xf32>
    %get3A_51 = arith.constant 0 : index
    %get3A_52 = arith.constant 0 : index
    %get3A_53 = arith.constant 0 : index
    %get3A_54 = vector.load %arg4[%get3A_51, %get3A_52, %get3A_53] : memref<8x1x24xf32, #tpu.memory_space<vmem>>, vector<1x1x24xf32>
    %get3A_55 = vector.shape_cast %get3A_54 : vector<1x1x24xf32> to vector<1x24xf32>
    %add3A = vector.broadcast %get3A_55 : vector<1x24xf32> to vector<64x24xf32>
    %add3A_56 = arith.addf %dot_general3A_50, %add3A : vector<64x24xf32>
    %mul3A_57 = vector.broadcast %broadcast_in_dim3A : vector<64x1xf32> to vector<64x24xf32>
    %mul3A_58 = arith.mulf %add3A_56, %mul3A_57 : vector<64x24xf32>
    %concatenate3A_59 = tpu.concatenate %mul3A_58, %get3A_28 in 1 : vector<64x24xf32>, vector<64x8xf32> -> vector<64x32xf32>
    %max3A = arith.constant 0.000000e+00 : f32
    %max3A_60 = vector.broadcast %max3A : f32 to vector<64x32xf32>
    %max3A_61 = arith.maximumf %concatenate3A_59, %max3A_60 : vector<64x32xf32>
    %get3A_62 = arith.constant 0 : index
    %get3A_63 = arith.constant 0 : index
    %get3A_64 = vector.load %arg5[%get3A_62, %get3A_63] : memref<32x128xf32, #tpu.memory_space<vmem>>, vector<32x128xf32>
    %dot_general3A_65 = arith.constant dense<0.000000e+00> : vector<64x128xf32>
    %dot_general3A_66 = tpu.matmul %max3A_61, %get3A_64, %dot_general3A_65 {dimension_numbers = #tpu.dot_dimension_numbers<[1], [0], [0], [1], [0, 0, 1, 1], [], []>, transpose_lhs_hint = false} : vector<64x32xf32>, vector<32x128xf32>, vector<64x128xf32> -> vector<64x128xf32>
    %get3A_67 = arith.constant 0 : index
    %get3A_68 = arith.constant 0 : index
    %get3A_69 = vector.load %arg6[%get3A_67, %get3A_68] : memref<1x128xf32, #tpu.memory_space<vmem>>, vector<1x128xf32>
    %add3A_70 = vector.broadcast %get3A_69 : vector<1x128xf32> to vector<64x128xf32>
    %add3A_71 = arith.addf %dot_general3A_66, %add3A_70 : vector<64x128xf32>
    %max3A_72 = arith.constant 0.000000e+00 : f32
    %max3A_73 = vector.broadcast %max3A_72 : f32 to vector<64x128xf32>
    %max3A_74 = arith.maximumf %add3A_71, %max3A_73 : vector<64x128xf32>
    %get3A_75 = arith.constant 0 : index
    %get3A_76 = arith.constant 0 : index
    %get3A_77 = vector.load %arg7[%get3A_75, %get3A_76] : memref<128x128xf32, #tpu.memory_space<vmem>>, vector<128x128xf32>
    %dot_general3A_78 = arith.constant dense<0.000000e+00> : vector<64x128xf32>
    %dot_general3A_79 = tpu.matmul %max3A_74, %get3A_77, %dot_general3A_78 {dimension_numbers = #tpu.dot_dimension_numbers<[1], [0], [0], [1], [0, 0, 1, 1], [], []>, transpose_lhs_hint = false} : vector<64x128xf32>, vector<128x128xf32>, vector<64x128xf32> -> vector<64x128xf32>
    %get3A_80 = arith.constant 0 : index
    %get3A_81 = arith.constant 0 : index
    %get3A_82 = vector.load %arg8[%get3A_80, %get3A_81] : memref<1x128xf32, #tpu.memory_space<vmem>>, vector<1x128xf32>
    %add3A_83 = vector.broadcast %get3A_82 : vector<1x128xf32> to vector<64x128xf32>
    %add3A_84 = arith.addf %dot_general3A_79, %add3A_83 : vector<64x128xf32>
    %max3A_85 = arith.constant 0.000000e+00 : f32
    %max3A_86 = vector.broadcast %max3A_85 : f32 to vector<64x128xf32>
    %max3A_87 = arith.maximumf %add3A_84, %max3A_86 : vector<64x128xf32>
    %get3A_88 = arith.constant 0 : index
    %get3A_89 = arith.constant 0 : index
    %get3A_90 = arith.constant 0 : index
    %get3A_91 = vector.load %arg9[%get3A_88, %get3A_89, %get3A_90] : memref<8x128x128xf32, #tpu.memory_space<vmem>>, vector<1x128x128xf32>
    %get3A_92 = vector.shape_cast %get3A_91 : vector<1x128x128xf32> to vector<128x128xf32>
    %dot_general3A_93 = arith.constant dense<0.000000e+00> : vector<64x128xf32>
    %dot_general3A_94 = tpu.matmul %max3A_87, %get3A_92, %dot_general3A_93 {dimension_numbers = #tpu.dot_dimension_numbers<[1], [0], [0], [1], [0, 0, 1, 1], [], []>, transpose_lhs_hint = false} : vector<64x128xf32>, vector<128x128xf32>, vector<64x128xf32> -> vector<64x128xf32>
    %get3A_95 = arith.constant 0 : index
    %get3A_96 = arith.constant 1 : index
    %get3A_97 = arith.constant 0 : index
    %get3A_98 = vector.load %arg2[%get3A_95, %get3A_96, %get3A_97] : memref<64x8x8xf32, #tpu.memory_space<vmem>>, vector<64x1x8xf32>
    %get3A_99 = vector.shape_cast %get3A_98 : vector<64x1x8xf32> to vector<64x8xf32>
    %dot_general3A_100 = arith.constant dense<0.000000e+00> : vector<64x256xf32>
    %dot_general3A_101 = tpu.matmul %get3A_99, %convert_element_type3A_24, %dot_general3A_100 {dimension_numbers = #tpu.dot_dimension_numbers<[1], [0], [0], [1], [0, 0, 1, 1], [], []>, transpose_lhs_hint = false} : vector<64x8xf32>, vector<8x256xf32>, vector<64x256xf32> -> vector<64x256xf32>
    %get3A_102 = arith.constant 0 : index
    %get3A_103 = arith.constant 1 : index
    %get3A_104 = arith.constant 0 : index
    %get3A_105 = vector.load %arg1[%get3A_102, %get3A_103, %get3A_104] : memref<64x8x1024xf32, #tpu.memory_space<vmem>>, vector<64x1x1024xf32>
    %get3A_106 = vector.shape_cast %get3A_105 : vector<64x1x1024xf32> to vector<64x1024xf32>
    %slice3A_107 = vector.extract_strided_slice %get3A_106 {offsets = [0, 0], sizes = [64, 32], strides = [1, 1]} : vector<64x1024xf32> to vector<64x32xf32>
    %slice3A_108 = vector.extract_strided_slice %get3A_106 {offsets = [0, 128], sizes = [64, 32], strides = [1, 1]} : vector<64x1024xf32> to vector<64x32xf32>
    %slice3A_109 = vector.extract_strided_slice %get3A_106 {offsets = [0, 256], sizes = [64, 32], strides = [1, 1]} : vector<64x1024xf32> to vector<64x32xf32>
    %slice3A_110 = vector.extract_strided_slice %get3A_106 {offsets = [0, 384], sizes = [64, 32], strides = [1, 1]} : vector<64x1024xf32> to vector<64x32xf32>
    %slice3A_111 = vector.extract_strided_slice %get3A_106 {offsets = [0, 512], sizes = [64, 32], strides = [1, 1]} : vector<64x1024xf32> to vector<64x32xf32>
    %slice3A_112 = vector.extract_strided_slice %get3A_106 {offsets = [0, 640], sizes = [64, 32], strides = [1, 1]} : vector<64x1024xf32> to vector<64x32xf32>
    %slice3A_113 = vector.extract_strided_slice %get3A_106 {offsets = [0, 768], sizes = [64, 32], strides = [1, 1]} : vector<64x1024xf32> to vector<64x32xf32>
    %slice3A_114 = vector.extract_strided_slice %get3A_106 {offsets = [0, 896], sizes = [64, 32], strides = [1, 1]} : vector<64x1024xf32> to vector<64x32xf32>
    %concatenate3A_115 = tpu.concatenate %slice3A_107, %slice3A_108, %slice3A_109, %slice3A_110, %slice3A_111, %slice3A_112, %slice3A_113, %slice3A_114 in 1 : vector<64x32xf32>, vector<64x32xf32>, vector<64x32xf32>, vector<64x32xf32>, vector<64x32xf32>, vector<64x32xf32>, vector<64x32xf32>, vector<64x32xf32> -> vector<64x256xf32>
    %mul3A_116 = arith.mulf %concatenate3A_115, %dot_general3A_101 : vector<64x256xf32>
    %concatenate3A_117 = tpu.concatenate %mul3A_116, %get3A_99 in 1 : vector<64x256xf32>, vector<64x8xf32> -> vector<64x264xf32>
    %reduce_sum3A_118 = arith.constant dense<0.000000e+00> : vector<64xf32>
    %reduce_sum3A_119 = vector.multi_reduction <add>, %get3A_99, %reduce_sum3A_118 [1] : vector<64x8xf32> to vector<64xf32>
    %broadcast_in_dim3A_120 = vector.shape_cast %reduce_sum3A_119 : vector<64xf32> to vector<64x1xf32>
    %get3A_121 = arith.constant 1 : index
    %get3A_122 = arith.constant 0 : index
    %get3A_123 = arith.constant 0 : index
    %get3A_124 = vector.load %arg3[%get3A_121, %get3A_122, %get3A_123] : memref<8x264x24xf32, #tpu.memory_space<vmem>>, vector<1x264x24xf32>
    %get3A_125 = vector.shape_cast %get3A_124 : vector<1x264x24xf32> to vector<264x24xf32>
    %dot_general3A_126 = arith.constant dense<0.000000e+00> : vector<64x24xf32>
    %dot_general3A_127 = tpu.matmul %concatenate3A_117, %get3A_125, %dot_general3A_126 {dimension_numbers = #tpu.dot_dimension_numbers<[1], [0], [0], [1], [0, 0, 1, 1], [], []>, transpose_lhs_hint = false} : vector<64x264xf32>, vector<264x24xf32>, vector<64x24xf32> -> vector<64x24xf32>
    %get3A_128 = arith.constant 1 : index
    %get3A_129 = arith.constant 0 : index
    %get3A_130 = arith.constant 0 : index
    %get3A_131 = vector.load %arg4[%get3A_128, %get3A_129, %get3A_130] : memref<8x1x24xf32, #tpu.memory_space<vmem>>, vector<1x1x24xf32>
    %get3A_132 = vector.shape_cast %get3A_131 : vector<1x1x24xf32> to vector<1x24xf32>
    %add3A_133 = vector.broadcast %get3A_132 : vector<1x24xf32> to vector<64x24xf32>
    %add3A_134 = arith.addf %dot_general3A_127, %add3A_133 : vector<64x24xf32>
    %mul3A_135 = vector.broadcast %broadcast_in_dim3A_120 : vector<64x1xf32> to vector<64x24xf32>
    %mul3A_136 = arith.mulf %add3A_134, %mul3A_135 : vector<64x24xf32>
    %concatenate3A_137 = tpu.concatenate %mul3A_136, %get3A_99 in 1 : vector<64x24xf32>, vector<64x8xf32> -> vector<64x32xf32>
    %max3A_138 = arith.constant 0.000000e+00 : f32
    %max3A_139 = vector.broadcast %max3A_138 : f32 to vector<64x32xf32>
    %max3A_140 = arith.maximumf %concatenate3A_137, %max3A_139 : vector<64x32xf32>
    %get3A_141 = arith.constant 0 : index
    %get3A_142 = arith.constant 0 : index
    %get3A_143 = vector.load %arg5[%get3A_141, %get3A_142] : memref<32x128xf32, #tpu.memory_space<vmem>>, vector<32x128xf32>
    %dot_general3A_144 = arith.constant dense<0.000000e+00> : vector<64x128xf32>
    %dot_general3A_145 = tpu.matmul %max3A_140, %get3A_143, %dot_general3A_144 {dimension_numbers = #tpu.dot_dimension_numbers<[1], [0], [0], [1], [0, 0, 1, 1], [], []>, transpose_lhs_hint = false} : vector<64x32xf32>, vector<32x128xf32>, vector<64x128xf32> -> vector<64x128xf32>
    %get3A_146 = arith.constant 0 : index
    %get3A_147 = arith.constant 0 : index
    %get3A_148 = vector.load %arg6[%get3A_146, %get3A_147] : memref<1x128xf32, #tpu.memory_space<vmem>>, vector<1x128xf32>
    %add3A_149 = vector.broadcast %get3A_148 : vector<1x128xf32> to vector<64x128xf32>
    %add3A_150 = arith.addf %dot_general3A_145, %add3A_149 : vector<64x128xf32>
    %max3A_151 = arith.constant 0.000000e+00 : f32
    %max3A_152 = vector.broadcast %max3A_151 : f32 to vector<64x128xf32>
    %max3A_153 = arith.maximumf %add3A_150, %max3A_152 : vector<64x128xf32>
    %get3A_154 = arith.constant 0 : index
    %get3A_155 = arith.constant 0 : index
    %get3A_156 = vector.load %arg7[%get3A_154, %get3A_155] : memref<128x128xf32, #tpu.memory_space<vmem>>, vector<128x128xf32>
    %dot_general3A_157 = arith.constant dense<0.000000e+00> : vector<64x128xf32>
    %dot_general3A_158 = tpu.matmul %max3A_153, %get3A_156, %dot_general3A_157 {dimension_numbers = #tpu.dot_dimension_numbers<[1], [0], [0], [1], [0, 0, 1, 1], [], []>, transpose_lhs_hint = false} : vector<64x128xf32>, vector<128x128xf32>, vector<64x128xf32> -> vector<64x128xf32>
    %get3A_159 = arith.constant 0 : index
    %get3A_160 = arith.constant 0 : index
    %get3A_161 = vector.load %arg8[%get3A_159, %get3A_160] : memref<1x128xf32, #tpu.memory_space<vmem>>, vector<1x128xf32>
    %add3A_162 = vector.broadcast %get3A_161 : vector<1x128xf32> to vector<64x128xf32>
    %add3A_163 = arith.addf %dot_general3A_158, %add3A_162 : vector<64x128xf32>
    %max3A_164 = arith.constant 0.000000e+00 : f32
    %max3A_165 = vector.broadcast %max3A_164 : f32 to vector<64x128xf32>
    %max3A_166 = arith.maximumf %add3A_163, %max3A_165 : vector<64x128xf32>
    %get3A_167 = arith.constant 1 : index
    %get3A_168 = arith.constant 0 : index
    %get3A_169 = arith.constant 0 : index
    %get3A_170 = vector.load %arg9[%get3A_167, %get3A_168, %get3A_169] : memref<8x128x128xf32, #tpu.memory_space<vmem>>, vector<1x128x128xf32>
    %get3A_171 = vector.shape_cast %get3A_170 : vector<1x128x128xf32> to vector<128x128xf32>
    %dot_general3A_172 = arith.constant dense<0.000000e+00> : vector<64x128xf32>
    %dot_general3A_173 = tpu.matmul %max3A_166, %get3A_171, %dot_general3A_172 {dimension_numbers = #tpu.dot_dimension_numbers<[1], [0], [0], [1], [0, 0, 1, 1], [], []>, transpose_lhs_hint = false} : vector<64x128xf32>, vector<128x128xf32>, vector<64x128xf32> -> vector<64x128xf32>
    %add3A_174 = arith.addf %dot_general3A_94, %dot_general3A_173 : vector<64x128xf32>
    %get3A_175 = arith.constant 0 : index
    %get3A_176 = arith.constant 2 : index
    %get3A_177 = arith.constant 0 : index
    %get3A_178 = vector.load %arg2[%get3A_175, %get3A_176, %get3A_177] : memref<64x8x8xf32, #tpu.memory_space<vmem>>, vector<64x1x8xf32>
    %get3A_179 = vector.shape_cast %get3A_178 : vector<64x1x8xf32> to vector<64x8xf32>
    %dot_general3A_180 = arith.constant dense<0.000000e+00> : vector<64x256xf32>
    %dot_general3A_181 = tpu.matmul %get3A_179, %convert_element_type3A_24, %dot_general3A_180 {dimension_numbers = #tpu.dot_dimension_numbers<[1], [0], [0], [1], [0, 0, 1, 1], [], []>, transpose_lhs_hint = false} : vector<64x8xf32>, vector<8x256xf32>, vector<64x256xf32> -> vector<64x256xf32>
    %get3A_182 = arith.constant 0 : index
    %get3A_183 = arith.constant 2 : index
    %get3A_184 = arith.constant 0 : index
    %get3A_185 = vector.load %arg1[%get3A_182, %get3A_183, %get3A_184] : memref<64x8x1024xf32, #tpu.memory_space<vmem>>, vector<64x1x1024xf32>
    %get3A_186 = vector.shape_cast %get3A_185 : vector<64x1x1024xf32> to vector<64x1024xf32>
    %slice3A_187 = vector.extract_strided_slice %get3A_186 {offsets = [0, 0], sizes = [64, 32], strides = [1, 1]} : vector<64x1024xf32> to vector<64x32xf32>
    %slice3A_188 = vector.extract_strided_slice %get3A_186 {offsets = [0, 128], sizes = [64, 32], strides = [1, 1]} : vector<64x1024xf32> to vector<64x32xf32>
    %slice3A_189 = vector.extract_strided_slice %get3A_186 {offsets = [0, 256], sizes = [64, 32], strides = [1, 1]} : vector<64x1024xf32> to vector<64x32xf32>
    %slice3A_190 = vector.extract_strided_slice %get3A_186 {offsets = [0, 384], sizes = [64, 32], strides = [1, 1]} : vector<64x1024xf32> to vector<64x32xf32>
    %slice3A_191 = vector.extract_strided_slice %get3A_186 {offsets = [0, 512], sizes = [64, 32], strides = [1, 1]} : vector<64x1024xf32> to vector<64x32xf32>
    %slice3A_192 = vector.extract_strided_slice %get3A_186 {offsets = [0, 640], sizes = [64, 32], strides = [1, 1]} : vector<64x1024xf32> to vector<64x32xf32>
    %slice3A_193 = vector.extract_strided_slice %get3A_186 {offsets = [0, 768], sizes = [64, 32], strides = [1, 1]} : vector<64x1024xf32> to vector<64x32xf32>
    %slice3A_194 = vector.extract_strided_slice %get3A_186 {offsets = [0, 896], sizes = [64, 32], strides = [1, 1]} : vector<64x1024xf32> to vector<64x32xf32>
    %concatenate3A_195 = tpu.concatenate %slice3A_187, %slice3A_188, %slice3A_189, %slice3A_190, %slice3A_191, %slice3A_192, %slice3A_193, %slice3A_194 in 1 : vector<64x32xf32>, vector<64x32xf32>, vector<64x32xf32>, vector<64x32xf32>, vector<64x32xf32>, vector<64x32xf32>, vector<64x32xf32>, vector<64x32xf32> -> vector<64x256xf32>
    %mul3A_196 = arith.mulf %concatenate3A_195, %dot_general3A_181 : vector<64x256xf32>
    %concatenate3A_197 = tpu.concatenate %mul3A_196, %get3A_179 in 1 : vector<64x256xf32>, vector<64x8xf32> -> vector<64x264xf32>
    %reduce_sum3A_198 = arith.constant dense<0.000000e+00> : vector<64xf32>
    %reduce_sum3A_199 = vector.multi_reduction <add>, %get3A_179, %reduce_sum3A_198 [1] : vector<64x8xf32> to vector<64xf32>
    %broadcast_in_dim3A_200 = vector.shape_cast %reduce_sum3A_199 : vector<64xf32> to vector<64x1xf32>
    %get3A_201 = arith.constant 2 : index
    %get3A_202 = arith.constant 0 : index
    %get3A_203 = arith.constant 0 : index
    %get3A_204 = vector.load %arg3[%get3A_201, %get3A_202, %get3A_203] : memref<8x264x24xf32, #tpu.memory_space<vmem>>, vector<1x264x24xf32>
    %get3A_205 = vector.shape_cast %get3A_204 : vector<1x264x24xf32> to vector<264x24xf32>
    %dot_general3A_206 = arith.constant dense<0.000000e+00> : vector<64x24xf32>
    %dot_general3A_207 = tpu.matmul %concatenate3A_197, %get3A_205, %dot_general3A_206 {dimension_numbers = #tpu.dot_dimension_numbers<[1], [0], [0], [1], [0, 0, 1, 1], [], []>, transpose_lhs_hint = false} : vector<64x264xf32>, vector<264x24xf32>, vector<64x24xf32> -> vector<64x24xf32>
    %get3A_208 = arith.constant 2 : index
    %get3A_209 = arith.constant 0 : index
    %get3A_210 = arith.constant 0 : index
    %get3A_211 = vector.load %arg4[%get3A_208, %get3A_209, %get3A_210] : memref<8x1x24xf32, #tpu.memory_space<vmem>>, vector<1x1x24xf32>
    %get3A_212 = vector.shape_cast %get3A_211 : vector<1x1x24xf32> to vector<1x24xf32>
    %add3A_213 = vector.broadcast %get3A_212 : vector<1x24xf32> to vector<64x24xf32>
    %add3A_214 = arith.addf %dot_general3A_207, %add3A_213 : vector<64x24xf32>
    %mul3A_215 = vector.broadcast %broadcast_in_dim3A_200 : vector<64x1xf32> to vector<64x24xf32>
    %mul3A_216 = arith.mulf %add3A_214, %mul3A_215 : vector<64x24xf32>
    %concatenate3A_217 = tpu.concatenate %mul3A_216, %get3A_179 in 1 : vector<64x24xf32>, vector<64x8xf32> -> vector<64x32xf32>
    %max3A_218 = arith.constant 0.000000e+00 : f32
    %max3A_219 = vector.broadcast %max3A_218 : f32 to vector<64x32xf32>
    %max3A_220 = arith.maximumf %concatenate3A_217, %max3A_219 : vector<64x32xf32>
    %get3A_221 = arith.constant 0 : index
    %get3A_222 = arith.constant 0 : index
    %get3A_223 = vector.load %arg5[%get3A_221, %get3A_222] : memref<32x128xf32, #tpu.memory_space<vmem>>, vector<32x128xf32>
    %dot_general3A_224 = arith.constant dense<0.000000e+00> : vector<64x128xf32>
    %dot_general3A_225 = tpu.matmul %max3A_220, %get3A_223, %dot_general3A_224 {dimension_numbers = #tpu.dot_dimension_numbers<[1], [0], [0], [1], [0, 0, 1, 1], [], []>, transpose_lhs_hint = false} : vector<64x32xf32>, vector<32x128xf32>, vector<64x128xf32> -> vector<64x128xf32>
    %get3A_226 = arith.constant 0 : index
    %get3A_227 = arith.constant 0 : index
    %get3A_228 = vector.load %arg6[%get3A_226, %get3A_227] : memref<1x128xf32, #tpu.memory_space<vmem>>, vector<1x128xf32>
    %add3A_229 = vector.broadcast %get3A_228 : vector<1x128xf32> to vector<64x128xf32>
    %add3A_230 = arith.addf %dot_general3A_225, %add3A_229 : vector<64x128xf32>
    %max3A_231 = arith.constant 0.000000e+00 : f32
    %max3A_232 = vector.broadcast %max3A_231 : f32 to vector<64x128xf32>
    %max3A_233 = arith.maximumf %add3A_230, %max3A_232 : vector<64x128xf32>
    %get3A_234 = arith.constant 0 : index
    %get3A_235 = arith.constant 0 : index
    %get3A_236 = vector.load %arg7[%get3A_234, %get3A_235] : memref<128x128xf32, #tpu.memory_space<vmem>>, vector<128x128xf32>
    %dot_general3A_237 = arith.constant dense<0.000000e+00> : vector<64x128xf32>
    %dot_general3A_238 = tpu.matmul %max3A_233, %get3A_236, %dot_general3A_237 {dimension_numbers = #tpu.dot_dimension_numbers<[1], [0], [0], [1], [0, 0, 1, 1], [], []>, transpose_lhs_hint = false} : vector<64x128xf32>, vector<128x128xf32>, vector<64x128xf32> -> vector<64x128xf32>
    %get3A_239 = arith.constant 0 : index
    %get3A_240 = arith.constant 0 : index
    %get3A_241 = vector.load %arg8[%get3A_239, %get3A_240] : memref<1x128xf32, #tpu.memory_space<vmem>>, vector<1x128xf32>
    %add3A_242 = vector.broadcast %get3A_241 : vector<1x128xf32> to vector<64x128xf32>
    %add3A_243 = arith.addf %dot_general3A_238, %add3A_242 : vector<64x128xf32>
    %max3A_244 = arith.constant 0.000000e+00 : f32
    %max3A_245 = vector.broadcast %max3A_244 : f32 to vector<64x128xf32>
    %max3A_246 = arith.maximumf %add3A_243, %max3A_245 : vector<64x128xf32>
    %get3A_247 = arith.constant 2 : index
    %get3A_248 = arith.constant 0 : index
    %get3A_249 = arith.constant 0 : index
    %get3A_250 = vector.load %arg9[%get3A_247, %get3A_248, %get3A_249] : memref<8x128x128xf32, #tpu.memory_space<vmem>>, vector<1x128x128xf32>
    %get3A_251 = vector.shape_cast %get3A_250 : vector<1x128x128xf32> to vector<128x128xf32>
    %dot_general3A_252 = arith.constant dense<0.000000e+00> : vector<64x128xf32>
    %dot_general3A_253 = tpu.matmul %max3A_246, %get3A_251, %dot_general3A_252 {dimension_numbers = #tpu.dot_dimension_numbers<[1], [0], [0], [1], [0, 0, 1, 1], [], []>, transpose_lhs_hint = false} : vector<64x128xf32>, vector<128x128xf32>, vector<64x128xf32> -> vector<64x128xf32>
    %add3A_254 = arith.addf %add3A_174, %dot_general3A_253 : vector<64x128xf32>
    %get3A_255 = arith.constant 0 : index
    %get3A_256 = arith.constant 3 : index
    %get3A_257 = arith.constant 0 : index
    %get3A_258 = vector.load %arg2[%get3A_255, %get3A_256, %get3A_257] : memref<64x8x8xf32, #tpu.memory_space<vmem>>, vector<64x1x8xf32>
    %get3A_259 = vector.shape_cast %get3A_258 : vector<64x1x8xf32> to vector<64x8xf32>
    %dot_general3A_260 = arith.constant dense<0.000000e+00> : vector<64x256xf32>
    %dot_general3A_261 = tpu.matmul %get3A_259, %convert_element_type3A_24, %dot_general3A_260 {dimension_numbers = #tpu.dot_dimension_numbers<[1], [0], [0], [1], [0, 0, 1, 1], [], []>, transpose_lhs_hint = false} : vector<64x8xf32>, vector<8x256xf32>, vector<64x256xf32> -> vector<64x256xf32>
    %get3A_262 = arith.constant 0 : index
    %get3A_263 = arith.constant 3 : index
    %get3A_264 = arith.constant 0 : index
    %get3A_265 = vector.load %arg1[%get3A_262, %get3A_263, %get3A_264] : memref<64x8x1024xf32, #tpu.memory_space<vmem>>, vector<64x1x1024xf32>
    %get3A_266 = vector.shape_cast %get3A_265 : vector<64x1x1024xf32> to vector<64x1024xf32>
    %slice3A_267 = vector.extract_strided_slice %get3A_266 {offsets = [0, 0], sizes = [64, 32], strides = [1, 1]} : vector<64x1024xf32> to vector<64x32xf32>
    %slice3A_268 = vector.extract_strided_slice %get3A_266 {offsets = [0, 128], sizes = [64, 32], strides = [1, 1]} : vector<64x1024xf32> to vector<64x32xf32>
    %slice3A_269 = vector.extract_strided_slice %get3A_266 {offsets = [0, 256], sizes = [64, 32], strides = [1, 1]} : vector<64x1024xf32> to vector<64x32xf32>
    %slice3A_270 = vector.extract_strided_slice %get3A_266 {offsets = [0, 384], sizes = [64, 32], strides = [1, 1]} : vector<64x1024xf32> to vector<64x32xf32>
    %slice3A_271 = vector.extract_strided_slice %get3A_266 {offsets = [0, 512], sizes = [64, 32], strides = [1, 1]} : vector<64x1024xf32> to vector<64x32xf32>
    %slice3A_272 = vector.extract_strided_slice %get3A_266 {offsets = [0, 640], sizes = [64, 32], strides = [1, 1]} : vector<64x1024xf32> to vector<64x32xf32>
    %slice3A_273 = vector.extract_strided_slice %get3A_266 {offsets = [0, 768], sizes = [64, 32], strides = [1, 1]} : vector<64x1024xf32> to vector<64x32xf32>
    %slice3A_274 = vector.extract_strided_slice %get3A_266 {offsets = [0, 896], sizes = [64, 32], strides = [1, 1]} : vector<64x1024xf32> to vector<64x32xf32>
    %concatenate3A_275 = tpu.concatenate %slice3A_267, %slice3A_268, %slice3A_269, %slice3A_270, %slice3A_271, %slice3A_272, %slice3A_273, %slice3A_274 in 1 : vector<64x32xf32>, vector<64x32xf32>, vector<64x32xf32>, vector<64x32xf32>, vector<64x32xf32>, vector<64x32xf32>, vector<64x32xf32>, vector<64x32xf32> -> vector<64x256xf32>
    %mul3A_276 = arith.mulf %concatenate3A_275, %dot_general3A_261 : vector<64x256xf32>
    %concatenate3A_277 = tpu.concatenate %mul3A_276, %get3A_259 in 1 : vector<64x256xf32>, vector<64x8xf32> -> vector<64x264xf32>
    %reduce_sum3A_278 = arith.constant dense<0.000000e+00> : vector<64xf32>
    %reduce_sum3A_279 = vector.multi_reduction <add>, %get3A_259, %reduce_sum3A_278 [1] : vector<64x8xf32> to vector<64xf32>
    %broadcast_in_dim3A_280 = vector.shape_cast %reduce_sum3A_279 : vector<64xf32> to vector<64x1xf32>
    %get3A_281 = arith.constant 3 : index
    %get3A_282 = arith.constant 0 : index
    %get3A_283 = arith.constant 0 : index
    %get3A_284 = vector.load %arg3[%get3A_281, %get3A_282, %get3A_283] : memref<8x264x24xf32, #tpu.memory_space<vmem>>, vector<1x264x24xf32>
    %get3A_285 = vector.shape_cast %get3A_284 : vector<1x264x24xf32> to vector<264x24xf32>
    %dot_general3A_286 = arith.constant dense<0.000000e+00> : vector<64x24xf32>
    %dot_general3A_287 = tpu.matmul %concatenate3A_277, %get3A_285, %dot_general3A_286 {dimension_numbers = #tpu.dot_dimension_numbers<[1], [0], [0], [1], [0, 0, 1, 1], [], []>, transpose_lhs_hint = false} : vector<64x264xf32>, vector<264x24xf32>, vector<64x24xf32> -> vector<64x24xf32>
    %get3A_288 = arith.constant 3 : index
    %get3A_289 = arith.constant 0 : index
    %get3A_290 = arith.constant 0 : index
    %get3A_291 = vector.load %arg4[%get3A_288, %get3A_289, %get3A_290] : memref<8x1x24xf32, #tpu.memory_space<vmem>>, vector<1x1x24xf32>
    %get3A_292 = vector.shape_cast %get3A_291 : vector<1x1x24xf32> to vector<1x24xf32>
    %add3A_293 = vector.broadcast %get3A_292 : vector<1x24xf32> to vector<64x24xf32>
    %add3A_294 = arith.addf %dot_general3A_287, %add3A_293 : vector<64x24xf32>
    %mul3A_295 = vector.broadcast %broadcast_in_dim3A_280 : vector<64x1xf32> to vector<64x24xf32>
    %mul3A_296 = arith.mulf %add3A_294, %mul3A_295 : vector<64x24xf32>
    %concatenate3A_297 = tpu.concatenate %mul3A_296, %get3A_259 in 1 : vector<64x24xf32>, vector<64x8xf32> -> vector<64x32xf32>
    %max3A_298 = arith.constant 0.000000e+00 : f32
    %max3A_299 = vector.broadcast %max3A_298 : f32 to vector<64x32xf32>
    %max3A_300 = arith.maximumf %concatenate3A_297, %max3A_299 : vector<64x32xf32>
    %get3A_301 = arith.constant 0 : index
    %get3A_302 = arith.constant 0 : index
    %get3A_303 = vector.load %arg5[%get3A_301, %get3A_302] : memref<32x128xf32, #tpu.memory_space<vmem>>, vector<32x128xf32>
    %dot_general3A_304 = arith.constant dense<0.000000e+00> : vector<64x128xf32>
    %dot_general3A_305 = tpu.matmul %max3A_300, %get3A_303, %dot_general3A_304 {dimension_numbers = #tpu.dot_dimension_numbers<[1], [0], [0], [1], [0, 0, 1, 1], [], []>, transpose_lhs_hint = false} : vector<64x32xf32>, vector<32x128xf32>, vector<64x128xf32> -> vector<64x128xf32>
    %get3A_306 = arith.constant 0 : index
    %get3A_307 = arith.constant 0 : index
    %get3A_308 = vector.load %arg6[%get3A_306, %get3A_307] : memref<1x128xf32, #tpu.memory_space<vmem>>, vector<1x128xf32>
    %add3A_309 = vector.broadcast %get3A_308 : vector<1x128xf32> to vector<64x128xf32>
    %add3A_310 = arith.addf %dot_general3A_305, %add3A_309 : vector<64x128xf32>
    %max3A_311 = arith.constant 0.000000e+00 : f32
    %max3A_312 = vector.broadcast %max3A_311 : f32 to vector<64x128xf32>
    %max3A_313 = arith.maximumf %add3A_310, %max3A_312 : vector<64x128xf32>
    %get3A_314 = arith.constant 0 : index
    %get3A_315 = arith.constant 0 : index
    %get3A_316 = vector.load %arg7[%get3A_314, %get3A_315] : memref<128x128xf32, #tpu.memory_space<vmem>>, vector<128x128xf32>
    %dot_general3A_317 = arith.constant dense<0.000000e+00> : vector<64x128xf32>
    %dot_general3A_318 = tpu.matmul %max3A_313, %get3A_316, %dot_general3A_317 {dimension_numbers = #tpu.dot_dimension_numbers<[1], [0], [0], [1], [0, 0, 1, 1], [], []>, transpose_lhs_hint = false} : vector<64x128xf32>, vector<128x128xf32>, vector<64x128xf32> -> vector<64x128xf32>
    %get3A_319 = arith.constant 0 : index
    %get3A_320 = arith.constant 0 : index
    %get3A_321 = vector.load %arg8[%get3A_319, %get3A_320] : memref<1x128xf32, #tpu.memory_space<vmem>>, vector<1x128xf32>
    %add3A_322 = vector.broadcast %get3A_321 : vector<1x128xf32> to vector<64x128xf32>
    %add3A_323 = arith.addf %dot_general3A_318, %add3A_322 : vector<64x128xf32>
    %max3A_324 = arith.constant 0.000000e+00 : f32
    %max3A_325 = vector.broadcast %max3A_324 : f32 to vector<64x128xf32>
    %max3A_326 = arith.maximumf %add3A_323, %max3A_325 : vector<64x128xf32>
    %get3A_327 = arith.constant 3 : index
    %get3A_328 = arith.constant 0 : index
    %get3A_329 = arith.constant 0 : index
    %get3A_330 = vector.load %arg9[%get3A_327, %get3A_328, %get3A_329] : memref<8x128x128xf32, #tpu.memory_space<vmem>>, vector<1x128x128xf32>
    %get3A_331 = vector.shape_cast %get3A_330 : vector<1x128x128xf32> to vector<128x128xf32>
    %dot_general3A_332 = arith.constant dense<0.000000e+00> : vector<64x128xf32>
    %dot_general3A_333 = tpu.matmul %max3A_326, %get3A_331, %dot_general3A_332 {dimension_numbers = #tpu.dot_dimension_numbers<[1], [0], [0], [1], [0, 0, 1, 1], [], []>, transpose_lhs_hint = false} : vector<64x128xf32>, vector<128x128xf32>, vector<64x128xf32> -> vector<64x128xf32>
    %add3A_334 = arith.addf %add3A_254, %dot_general3A_333 : vector<64x128xf32>
    %get3A_335 = arith.constant 0 : index
    %get3A_336 = arith.constant 4 : index
    %get3A_337 = arith.constant 0 : index
    %get3A_338 = vector.load %arg2[%get3A_335, %get3A_336, %get3A_337] : memref<64x8x8xf32, #tpu.memory_space<vmem>>, vector<64x1x8xf32>
    %get3A_339 = vector.shape_cast %get3A_338 : vector<64x1x8xf32> to vector<64x8xf32>
    %dot_general3A_340 = arith.constant dense<0.000000e+00> : vector<64x256xf32>
    %dot_general3A_341 = tpu.matmul %get3A_339, %convert_element_type3A_24, %dot_general3A_340 {dimension_numbers = #tpu.dot_dimension_numbers<[1], [0], [0], [1], [0, 0, 1, 1], [], []>, transpose_lhs_hint = false} : vector<64x8xf32>, vector<8x256xf32>, vector<64x256xf32> -> vector<64x256xf32>
    %get3A_342 = arith.constant 0 : index
    %get3A_343 = arith.constant 4 : index
    %get3A_344 = arith.constant 0 : index
    %get3A_345 = vector.load %arg1[%get3A_342, %get3A_343, %get3A_344] : memref<64x8x1024xf32, #tpu.memory_space<vmem>>, vector<64x1x1024xf32>
    %get3A_346 = vector.shape_cast %get3A_345 : vector<64x1x1024xf32> to vector<64x1024xf32>
    %slice3A_347 = vector.extract_strided_slice %get3A_346 {offsets = [0, 0], sizes = [64, 32], strides = [1, 1]} : vector<64x1024xf32> to vector<64x32xf32>
    %slice3A_348 = vector.extract_strided_slice %get3A_346 {offsets = [0, 128], sizes = [64, 32], strides = [1, 1]} : vector<64x1024xf32> to vector<64x32xf32>
    %slice3A_349 = vector.extract_strided_slice %get3A_346 {offsets = [0, 256], sizes = [64, 32], strides = [1, 1]} : vector<64x1024xf32> to vector<64x32xf32>
    %slice3A_350 = vector.extract_strided_slice %get3A_346 {offsets = [0, 384], sizes = [64, 32], strides = [1, 1]} : vector<64x1024xf32> to vector<64x32xf32>
    %slice3A_351 = vector.extract_strided_slice %get3A_346 {offsets = [0, 512], sizes = [64, 32], strides = [1, 1]} : vector<64x1024xf32> to vector<64x32xf32>
    %slice3A_352 = vector.extract_strided_slice %get3A_346 {offsets = [0, 640], sizes = [64, 32], strides = [1, 1]} : vector<64x1024xf32> to vector<64x32xf32>
    %slice3A_353 = vector.extract_strided_slice %get3A_346 {offsets = [0, 768], sizes = [64, 32], strides = [1, 1]} : vector<64x1024xf32> to vector<64x32xf32>
    %slice3A_354 = vector.extract_strided_slice %get3A_346 {offsets = [0, 896], sizes = [64, 32], strides = [1, 1]} : vector<64x1024xf32> to vector<64x32xf32>
    %concatenate3A_355 = tpu.concatenate %slice3A_347, %slice3A_348, %slice3A_349, %slice3A_350, %slice3A_351, %slice3A_352, %slice3A_353, %slice3A_354 in 1 : vector<64x32xf32>, vector<64x32xf32>, vector<64x32xf32>, vector<64x32xf32>, vector<64x32xf32>, vector<64x32xf32>, vector<64x32xf32>, vector<64x32xf32> -> vector<64x256xf32>
    %mul3A_356 = arith.mulf %concatenate3A_355, %dot_general3A_341 : vector<64x256xf32>
    %concatenate3A_357 = tpu.concatenate %mul3A_356, %get3A_339 in 1 : vector<64x256xf32>, vector<64x8xf32> -> vector<64x264xf32>
    %reduce_sum3A_358 = arith.constant dense<0.000000e+00> : vector<64xf32>
    %reduce_sum3A_359 = vector.multi_reduction <add>, %get3A_339, %reduce_sum3A_358 [1] : vector<64x8xf32> to vector<64xf32>
    %broadcast_in_dim3A_360 = vector.shape_cast %reduce_sum3A_359 : vector<64xf32> to vector<64x1xf32>
    %get3A_361 = arith.constant 4 : index
    %get3A_362 = arith.constant 0 : index
    %get3A_363 = arith.constant 0 : index
    %get3A_364 = vector.load %arg3[%get3A_361, %get3A_362, %get3A_363] : memref<8x264x24xf32, #tpu.memory_space<vmem>>, vector<1x264x24xf32>
    %get3A_365 = vector.shape_cast %get3A_364 : vector<1x264x24xf32> to vector<264x24xf32>
    %dot_general3A_366 = arith.constant dense<0.000000e+00> : vector<64x24xf32>
    %dot_general3A_367 = tpu.matmul %concatenate3A_357, %get3A_365, %dot_general3A_366 {dimension_numbers = #tpu.dot_dimension_numbers<[1], [0], [0], [1], [0, 0, 1, 1], [], []>, transpose_lhs_hint = false} : vector<64x264xf32>, vector<264x24xf32>, vector<64x24xf32> -> vector<64x24xf32>
    %get3A_368 = arith.constant 4 : index
    %get3A_369 = arith.constant 0 : index
    %get3A_370 = arith.constant 0 : index
    %get3A_371 = vector.load %arg4[%get3A_368, %get3A_369, %get3A_370] : memref<8x1x24xf32, #tpu.memory_space<vmem>>, vector<1x1x24xf32>
    %get3A_372 = vector.shape_cast %get3A_371 : vector<1x1x24xf32> to vector<1x24xf32>
    %add3A_373 = vector.broadcast %get3A_372 : vector<1x24xf32> to vector<64x24xf32>
    %add3A_374 = arith.addf %dot_general3A_367, %add3A_373 : vector<64x24xf32>
    %mul3A_375 = vector.broadcast %broadcast_in_dim3A_360 : vector<64x1xf32> to vector<64x24xf32>
    %mul3A_376 = arith.mulf %add3A_374, %mul3A_375 : vector<64x24xf32>
    %concatenate3A_377 = tpu.concatenate %mul3A_376, %get3A_339 in 1 : vector<64x24xf32>, vector<64x8xf32> -> vector<64x32xf32>
    %max3A_378 = arith.constant 0.000000e+00 : f32
    %max3A_379 = vector.broadcast %max3A_378 : f32 to vector<64x32xf32>
    %max3A_380 = arith.maximumf %concatenate3A_377, %max3A_379 : vector<64x32xf32>
    %get3A_381 = arith.constant 0 : index
    %get3A_382 = arith.constant 0 : index
    %get3A_383 = vector.load %arg5[%get3A_381, %get3A_382] : memref<32x128xf32, #tpu.memory_space<vmem>>, vector<32x128xf32>
    %dot_general3A_384 = arith.constant dense<0.000000e+00> : vector<64x128xf32>
    %dot_general3A_385 = tpu.matmul %max3A_380, %get3A_383, %dot_general3A_384 {dimension_numbers = #tpu.dot_dimension_numbers<[1], [0], [0], [1], [0, 0, 1, 1], [], []>, transpose_lhs_hint = false} : vector<64x32xf32>, vector<32x128xf32>, vector<64x128xf32> -> vector<64x128xf32>
    %get3A_386 = arith.constant 0 : index
    %get3A_387 = arith.constant 0 : index
    %get3A_388 = vector.load %arg6[%get3A_386, %get3A_387] : memref<1x128xf32, #tpu.memory_space<vmem>>, vector<1x128xf32>
    %add3A_389 = vector.broadcast %get3A_388 : vector<1x128xf32> to vector<64x128xf32>
    %add3A_390 = arith.addf %dot_general3A_385, %add3A_389 : vector<64x128xf32>
    %max3A_391 = arith.constant 0.000000e+00 : f32
    %max3A_392 = vector.broadcast %max3A_391 : f32 to vector<64x128xf32>
    %max3A_393 = arith.maximumf %add3A_390, %max3A_392 : vector<64x128xf32>
    %get3A_394 = arith.constant 0 : index
    %get3A_395 = arith.constant 0 : index
    %get3A_396 = vector.load %arg7[%get3A_394, %get3A_395] : memref<128x128xf32, #tpu.memory_space<vmem>>, vector<128x128xf32>
    %dot_general3A_397 = arith.constant dense<0.000000e+00> : vector<64x128xf32>
    %dot_general3A_398 = tpu.matmul %max3A_393, %get3A_396, %dot_general3A_397 {dimension_numbers = #tpu.dot_dimension_numbers<[1], [0], [0], [1], [0, 0, 1, 1], [], []>, transpose_lhs_hint = false} : vector<64x128xf32>, vector<128x128xf32>, vector<64x128xf32> -> vector<64x128xf32>
    %get3A_399 = arith.constant 0 : index
    %get3A_400 = arith.constant 0 : index
    %get3A_401 = vector.load %arg8[%get3A_399, %get3A_400] : memref<1x128xf32, #tpu.memory_space<vmem>>, vector<1x128xf32>
    %add3A_402 = vector.broadcast %get3A_401 : vector<1x128xf32> to vector<64x128xf32>
    %add3A_403 = arith.addf %dot_general3A_398, %add3A_402 : vector<64x128xf32>
    %max3A_404 = arith.constant 0.000000e+00 : f32
    %max3A_405 = vector.broadcast %max3A_404 : f32 to vector<64x128xf32>
    %max3A_406 = arith.maximumf %add3A_403, %max3A_405 : vector<64x128xf32>
    %get3A_407 = arith.constant 4 : index
    %get3A_408 = arith.constant 0 : index
    %get3A_409 = arith.constant 0 : index
    %get3A_410 = vector.load %arg9[%get3A_407, %get3A_408, %get3A_409] : memref<8x128x128xf32, #tpu.memory_space<vmem>>, vector<1x128x128xf32>
    %get3A_411 = vector.shape_cast %get3A_410 : vector<1x128x128xf32> to vector<128x128xf32>
    %dot_general3A_412 = arith.constant dense<0.000000e+00> : vector<64x128xf32>
    %dot_general3A_413 = tpu.matmul %max3A_406, %get3A_411, %dot_general3A_412 {dimension_numbers = #tpu.dot_dimension_numbers<[1], [0], [0], [1], [0, 0, 1, 1], [], []>, transpose_lhs_hint = false} : vector<64x128xf32>, vector<128x128xf32>, vector<64x128xf32> -> vector<64x128xf32>
    %add3A_414 = arith.addf %add3A_334, %dot_general3A_413 : vector<64x128xf32>
    %get3A_415 = arith.constant 0 : index
    %get3A_416 = arith.constant 5 : index
    %get3A_417 = arith.constant 0 : index
    %get3A_418 = vector.load %arg2[%get3A_415, %get3A_416, %get3A_417] : memref<64x8x8xf32, #tpu.memory_space<vmem>>, vector<64x1x8xf32>
    %get3A_419 = vector.shape_cast %get3A_418 : vector<64x1x8xf32> to vector<64x8xf32>
    %dot_general3A_420 = arith.constant dense<0.000000e+00> : vector<64x256xf32>
    %dot_general3A_421 = tpu.matmul %get3A_419, %convert_element_type3A_24, %dot_general3A_420 {dimension_numbers = #tpu.dot_dimension_numbers<[1], [0], [0], [1], [0, 0, 1, 1], [], []>, transpose_lhs_hint = false} : vector<64x8xf32>, vector<8x256xf32>, vector<64x256xf32> -> vector<64x256xf32>
    %get3A_422 = arith.constant 0 : index
    %get3A_423 = arith.constant 5 : index
    %get3A_424 = arith.constant 0 : index
    %get3A_425 = vector.load %arg1[%get3A_422, %get3A_423, %get3A_424] : memref<64x8x1024xf32, #tpu.memory_space<vmem>>, vector<64x1x1024xf32>
    %get3A_426 = vector.shape_cast %get3A_425 : vector<64x1x1024xf32> to vector<64x1024xf32>
    %slice3A_427 = vector.extract_strided_slice %get3A_426 {offsets = [0, 0], sizes = [64, 32], strides = [1, 1]} : vector<64x1024xf32> to vector<64x32xf32>
    %slice3A_428 = vector.extract_strided_slice %get3A_426 {offsets = [0, 128], sizes = [64, 32], strides = [1, 1]} : vector<64x1024xf32> to vector<64x32xf32>
    %slice3A_429 = vector.extract_strided_slice %get3A_426 {offsets = [0, 256], sizes = [64, 32], strides = [1, 1]} : vector<64x1024xf32> to vector<64x32xf32>
    %slice3A_430 = vector.extract_strided_slice %get3A_426 {offsets = [0, 384], sizes = [64, 32], strides = [1, 1]} : vector<64x1024xf32> to vector<64x32xf32>
    %slice3A_431 = vector.extract_strided_slice %get3A_426 {offsets = [0, 512], sizes = [64, 32], strides = [1, 1]} : vector<64x1024xf32> to vector<64x32xf32>
    %slice3A_432 = vector.extract_strided_slice %get3A_426 {offsets = [0, 640], sizes = [64, 32], strides = [1, 1]} : vector<64x1024xf32> to vector<64x32xf32>
    %slice3A_433 = vector.extract_strided_slice %get3A_426 {offsets = [0, 768], sizes = [64, 32], strides = [1, 1]} : vector<64x1024xf32> to vector<64x32xf32>
    %slice3A_434 = vector.extract_strided_slice %get3A_426 {offsets = [0, 896], sizes = [64, 32], strides = [1, 1]} : vector<64x1024xf32> to vector<64x32xf32>
    %concatenate3A_435 = tpu.concatenate %slice3A_427, %slice3A_428, %slice3A_429, %slice3A_430, %slice3A_431, %slice3A_432, %slice3A_433, %slice3A_434 in 1 : vector<64x32xf32>, vector<64x32xf32>, vector<64x32xf32>, vector<64x32xf32>, vector<64x32xf32>, vector<64x32xf32>, vector<64x32xf32>, vector<64x32xf32> -> vector<64x256xf32>
    %mul3A_436 = arith.mulf %concatenate3A_435, %dot_general3A_421 : vector<64x256xf32>
    %concatenate3A_437 = tpu.concatenate %mul3A_436, %get3A_419 in 1 : vector<64x256xf32>, vector<64x8xf32> -> vector<64x264xf32>
    %reduce_sum3A_438 = arith.constant dense<0.000000e+00> : vector<64xf32>
    %reduce_sum3A_439 = vector.multi_reduction <add>, %get3A_419, %reduce_sum3A_438 [1] : vector<64x8xf32> to vector<64xf32>
    %broadcast_in_dim3A_440 = vector.shape_cast %reduce_sum3A_439 : vector<64xf32> to vector<64x1xf32>
    %get3A_441 = arith.constant 5 : index
    %get3A_442 = arith.constant 0 : index
    %get3A_443 = arith.constant 0 : index
    %get3A_444 = vector.load %arg3[%get3A_441, %get3A_442, %get3A_443] : memref<8x264x24xf32, #tpu.memory_space<vmem>>, vector<1x264x24xf32>
    %get3A_445 = vector.shape_cast %get3A_444 : vector<1x264x24xf32> to vector<264x24xf32>
    %dot_general3A_446 = arith.constant dense<0.000000e+00> : vector<64x24xf32>
    %dot_general3A_447 = tpu.matmul %concatenate3A_437, %get3A_445, %dot_general3A_446 {dimension_numbers = #tpu.dot_dimension_numbers<[1], [0], [0], [1], [0, 0, 1, 1], [], []>, transpose_lhs_hint = false} : vector<64x264xf32>, vector<264x24xf32>, vector<64x24xf32> -> vector<64x24xf32>
    %get3A_448 = arith.constant 5 : index
    %get3A_449 = arith.constant 0 : index
    %get3A_450 = arith.constant 0 : index
    %get3A_451 = vector.load %arg4[%get3A_448, %get3A_449, %get3A_450] : memref<8x1x24xf32, #tpu.memory_space<vmem>>, vector<1x1x24xf32>
    %get3A_452 = vector.shape_cast %get3A_451 : vector<1x1x24xf32> to vector<1x24xf32>
    %add3A_453 = vector.broadcast %get3A_452 : vector<1x24xf32> to vector<64x24xf32>
    %add3A_454 = arith.addf %dot_general3A_447, %add3A_453 : vector<64x24xf32>
    %mul3A_455 = vector.broadcast %broadcast_in_dim3A_440 : vector<64x1xf32> to vector<64x24xf32>
    %mul3A_456 = arith.mulf %add3A_454, %mul3A_455 : vector<64x24xf32>
    %concatenate3A_457 = tpu.concatenate %mul3A_456, %get3A_419 in 1 : vector<64x24xf32>, vector<64x8xf32> -> vector<64x32xf32>
    %max3A_458 = arith.constant 0.000000e+00 : f32
    %max3A_459 = vector.broadcast %max3A_458 : f32 to vector<64x32xf32>
    %max3A_460 = arith.maximumf %concatenate3A_457, %max3A_459 : vector<64x32xf32>
    %get3A_461 = arith.constant 0 : index
    %get3A_462 = arith.constant 0 : index
    %get3A_463 = vector.load %arg5[%get3A_461, %get3A_462] : memref<32x128xf32, #tpu.memory_space<vmem>>, vector<32x128xf32>
    %dot_general3A_464 = arith.constant dense<0.000000e+00> : vector<64x128xf32>
    %dot_general3A_465 = tpu.matmul %max3A_460, %get3A_463, %dot_general3A_464 {dimension_numbers = #tpu.dot_dimension_numbers<[1], [0], [0], [1], [0, 0, 1, 1], [], []>, transpose_lhs_hint = false} : vector<64x32xf32>, vector<32x128xf32>, vector<64x128xf32> -> vector<64x128xf32>
    %get3A_466 = arith.constant 0 : index
    %get3A_467 = arith.constant 0 : index
    %get3A_468 = vector.load %arg6[%get3A_466, %get3A_467] : memref<1x128xf32, #tpu.memory_space<vmem>>, vector<1x128xf32>
    %add3A_469 = vector.broadcast %get3A_468 : vector<1x128xf32> to vector<64x128xf32>
    %add3A_470 = arith.addf %dot_general3A_465, %add3A_469 : vector<64x128xf32>
    %max3A_471 = arith.constant 0.000000e+00 : f32
    %max3A_472 = vector.broadcast %max3A_471 : f32 to vector<64x128xf32>
    %max3A_473 = arith.maximumf %add3A_470, %max3A_472 : vector<64x128xf32>
    %get3A_474 = arith.constant 0 : index
    %get3A_475 = arith.constant 0 : index
    %get3A_476 = vector.load %arg7[%get3A_474, %get3A_475] : memref<128x128xf32, #tpu.memory_space<vmem>>, vector<128x128xf32>
    %dot_general3A_477 = arith.constant dense<0.000000e+00> : vector<64x128xf32>
    %dot_general3A_478 = tpu.matmul %max3A_473, %get3A_476, %dot_general3A_477 {dimension_numbers = #tpu.dot_dimension_numbers<[1], [0], [0], [1], [0, 0, 1, 1], [], []>, transpose_lhs_hint = false} : vector<64x128xf32>, vector<128x128xf32>, vector<64x128xf32> -> vector<64x128xf32>
    %get3A_479 = arith.constant 0 : index
    %get3A_480 = arith.constant 0 : index
    %get3A_481 = vector.load %arg8[%get3A_479, %get3A_480] : memref<1x128xf32, #tpu.memory_space<vmem>>, vector<1x128xf32>
    %add3A_482 = vector.broadcast %get3A_481 : vector<1x128xf32> to vector<64x128xf32>
    %add3A_483 = arith.addf %dot_general3A_478, %add3A_482 : vector<64x128xf32>
    %max3A_484 = arith.constant 0.000000e+00 : f32
    %max3A_485 = vector.broadcast %max3A_484 : f32 to vector<64x128xf32>
    %max3A_486 = arith.maximumf %add3A_483, %max3A_485 : vector<64x128xf32>
    %get3A_487 = arith.constant 5 : index
    %get3A_488 = arith.constant 0 : index
    %get3A_489 = arith.constant 0 : index
    %get3A_490 = vector.load %arg9[%get3A_487, %get3A_488, %get3A_489] : memref<8x128x128xf32, #tpu.memory_space<vmem>>, vector<1x128x128xf32>
    %get3A_491 = vector.shape_cast %get3A_490 : vector<1x128x128xf32> to vector<128x128xf32>
    %dot_general3A_492 = arith.constant dense<0.000000e+00> : vector<64x128xf32>
    %dot_general3A_493 = tpu.matmul %max3A_486, %get3A_491, %dot_general3A_492 {dimension_numbers = #tpu.dot_dimension_numbers<[1], [0], [0], [1], [0, 0, 1, 1], [], []>, transpose_lhs_hint = false} : vector<64x128xf32>, vector<128x128xf32>, vector<64x128xf32> -> vector<64x128xf32>
    %add3A_494 = arith.addf %add3A_414, %dot_general3A_493 : vector<64x128xf32>
    %get3A_495 = arith.constant 0 : index
    %get3A_496 = arith.constant 6 : index
    %get3A_497 = arith.constant 0 : index
    %get3A_498 = vector.load %arg2[%get3A_495, %get3A_496, %get3A_497] : memref<64x8x8xf32, #tpu.memory_space<vmem>>, vector<64x1x8xf32>
    %get3A_499 = vector.shape_cast %get3A_498 : vector<64x1x8xf32> to vector<64x8xf32>
    %dot_general3A_500 = arith.constant dense<0.000000e+00> : vector<64x256xf32>
    %dot_general3A_501 = tpu.matmul %get3A_499, %convert_element_type3A_24, %dot_general3A_500 {dimension_numbers = #tpu.dot_dimension_numbers<[1], [0], [0], [1], [0, 0, 1, 1], [], []>, transpose_lhs_hint = false} : vector<64x8xf32>, vector<8x256xf32>, vector<64x256xf32> -> vector<64x256xf32>
    %get3A_502 = arith.constant 0 : index
    %get3A_503 = arith.constant 6 : index
    %get3A_504 = arith.constant 0 : index
    %get3A_505 = vector.load %arg1[%get3A_502, %get3A_503, %get3A_504] : memref<64x8x1024xf32, #tpu.memory_space<vmem>>, vector<64x1x1024xf32>
    %get3A_506 = vector.shape_cast %get3A_505 : vector<64x1x1024xf32> to vector<64x1024xf32>
    %slice3A_507 = vector.extract_strided_slice %get3A_506 {offsets = [0, 0], sizes = [64, 32], strides = [1, 1]} : vector<64x1024xf32> to vector<64x32xf32>
    %slice3A_508 = vector.extract_strided_slice %get3A_506 {offsets = [0, 128], sizes = [64, 32], strides = [1, 1]} : vector<64x1024xf32> to vector<64x32xf32>
    %slice3A_509 = vector.extract_strided_slice %get3A_506 {offsets = [0, 256], sizes = [64, 32], strides = [1, 1]} : vector<64x1024xf32> to vector<64x32xf32>
    %slice3A_510 = vector.extract_strided_slice %get3A_506 {offsets = [0, 384], sizes = [64, 32], strides = [1, 1]} : vector<64x1024xf32> to vector<64x32xf32>
    %slice3A_511 = vector.extract_strided_slice %get3A_506 {offsets = [0, 512], sizes = [64, 32], strides = [1, 1]} : vector<64x1024xf32> to vector<64x32xf32>
    %slice3A_512 = vector.extract_strided_slice %get3A_506 {offsets = [0, 640], sizes = [64, 32], strides = [1, 1]} : vector<64x1024xf32> to vector<64x32xf32>
    %slice3A_513 = vector.extract_strided_slice %get3A_506 {offsets = [0, 768], sizes = [64, 32], strides = [1, 1]} : vector<64x1024xf32> to vector<64x32xf32>
    %slice3A_514 = vector.extract_strided_slice %get3A_506 {offsets = [0, 896], sizes = [64, 32], strides = [1, 1]} : vector<64x1024xf32> to vector<64x32xf32>
    %concatenate3A_515 = tpu.concatenate %slice3A_507, %slice3A_508, %slice3A_509, %slice3A_510, %slice3A_511, %slice3A_512, %slice3A_513, %slice3A_514 in 1 : vector<64x32xf32>, vector<64x32xf32>, vector<64x32xf32>, vector<64x32xf32>, vector<64x32xf32>, vector<64x32xf32>, vector<64x32xf32>, vector<64x32xf32> -> vector<64x256xf32>
    %mul3A_516 = arith.mulf %concatenate3A_515, %dot_general3A_501 : vector<64x256xf32>
    %concatenate3A_517 = tpu.concatenate %mul3A_516, %get3A_499 in 1 : vector<64x256xf32>, vector<64x8xf32> -> vector<64x264xf32>
    %reduce_sum3A_518 = arith.constant dense<0.000000e+00> : vector<64xf32>
    %reduce_sum3A_519 = vector.multi_reduction <add>, %get3A_499, %reduce_sum3A_518 [1] : vector<64x8xf32> to vector<64xf32>
    %broadcast_in_dim3A_520 = vector.shape_cast %reduce_sum3A_519 : vector<64xf32> to vector<64x1xf32>
    %get3A_521 = arith.constant 6 : index
    %get3A_522 = arith.constant 0 : index
    %get3A_523 = arith.constant 0 : index
    %get3A_524 = vector.load %arg3[%get3A_521, %get3A_522, %get3A_523] : memref<8x264x24xf32, #tpu.memory_space<vmem>>, vector<1x264x24xf32>
    %get3A_525 = vector.shape_cast %get3A_524 : vector<1x264x24xf32> to vector<264x24xf32>
    %dot_general3A_526 = arith.constant dense<0.000000e+00> : vector<64x24xf32>
    %dot_general3A_527 = tpu.matmul %concatenate3A_517, %get3A_525, %dot_general3A_526 {dimension_numbers = #tpu.dot_dimension_numbers<[1], [0], [0], [1], [0, 0, 1, 1], [], []>, transpose_lhs_hint = false} : vector<64x264xf32>, vector<264x24xf32>, vector<64x24xf32> -> vector<64x24xf32>
    %get3A_528 = arith.constant 6 : index
    %get3A_529 = arith.constant 0 : index
    %get3A_530 = arith.constant 0 : index
    %get3A_531 = vector.load %arg4[%get3A_528, %get3A_529, %get3A_530] : memref<8x1x24xf32, #tpu.memory_space<vmem>>, vector<1x1x24xf32>
    %get3A_532 = vector.shape_cast %get3A_531 : vector<1x1x24xf32> to vector<1x24xf32>
    %add3A_533 = vector.broadcast %get3A_532 : vector<1x24xf32> to vector<64x24xf32>
    %add3A_534 = arith.addf %dot_general3A_527, %add3A_533 : vector<64x24xf32>
    %mul3A_535 = vector.broadcast %broadcast_in_dim3A_520 : vector<64x1xf32> to vector<64x24xf32>
    %mul3A_536 = arith.mulf %add3A_534, %mul3A_535 : vector<64x24xf32>
    %concatenate3A_537 = tpu.concatenate %mul3A_536, %get3A_499 in 1 : vector<64x24xf32>, vector<64x8xf32> -> vector<64x32xf32>
    %max3A_538 = arith.constant 0.000000e+00 : f32
    %max3A_539 = vector.broadcast %max3A_538 : f32 to vector<64x32xf32>
    %max3A_540 = arith.maximumf %concatenate3A_537, %max3A_539 : vector<64x32xf32>
    %get3A_541 = arith.constant 0 : index
    %get3A_542 = arith.constant 0 : index
    %get3A_543 = vector.load %arg5[%get3A_541, %get3A_542] : memref<32x128xf32, #tpu.memory_space<vmem>>, vector<32x128xf32>
    %dot_general3A_544 = arith.constant dense<0.000000e+00> : vector<64x128xf32>
    %dot_general3A_545 = tpu.matmul %max3A_540, %get3A_543, %dot_general3A_544 {dimension_numbers = #tpu.dot_dimension_numbers<[1], [0], [0], [1], [0, 0, 1, 1], [], []>, transpose_lhs_hint = false} : vector<64x32xf32>, vector<32x128xf32>, vector<64x128xf32> -> vector<64x128xf32>
    %get3A_546 = arith.constant 0 : index
    %get3A_547 = arith.constant 0 : index
    %get3A_548 = vector.load %arg6[%get3A_546, %get3A_547] : memref<1x128xf32, #tpu.memory_space<vmem>>, vector<1x128xf32>
    %add3A_549 = vector.broadcast %get3A_548 : vector<1x128xf32> to vector<64x128xf32>
    %add3A_550 = arith.addf %dot_general3A_545, %add3A_549 : vector<64x128xf32>
    %max3A_551 = arith.constant 0.000000e+00 : f32
    %max3A_552 = vector.broadcast %max3A_551 : f32 to vector<64x128xf32>
    %max3A_553 = arith.maximumf %add3A_550, %max3A_552 : vector<64x128xf32>
    %get3A_554 = arith.constant 0 : index
    %get3A_555 = arith.constant 0 : index
    %get3A_556 = vector.load %arg7[%get3A_554, %get3A_555] : memref<128x128xf32, #tpu.memory_space<vmem>>, vector<128x128xf32>
    %dot_general3A_557 = arith.constant dense<0.000000e+00> : vector<64x128xf32>
    %dot_general3A_558 = tpu.matmul %max3A_553, %get3A_556, %dot_general3A_557 {dimension_numbers = #tpu.dot_dimension_numbers<[1], [0], [0], [1], [0, 0, 1, 1], [], []>, transpose_lhs_hint = false} : vector<64x128xf32>, vector<128x128xf32>, vector<64x128xf32> -> vector<64x128xf32>
    %get3A_559 = arith.constant 0 : index
    %get3A_560 = arith.constant 0 : index
    %get3A_561 = vector.load %arg8[%get3A_559, %get3A_560] : memref<1x128xf32, #tpu.memory_space<vmem>>, vector<1x128xf32>
    %add3A_562 = vector.broadcast %get3A_561 : vector<1x128xf32> to vector<64x128xf32>
    %add3A_563 = arith.addf %dot_general3A_558, %add3A_562 : vector<64x128xf32>
    %max3A_564 = arith.constant 0.000000e+00 : f32
    %max3A_565 = vector.broadcast %max3A_564 : f32 to vector<64x128xf32>
    %max3A_566 = arith.maximumf %add3A_563, %max3A_565 : vector<64x128xf32>
    %get3A_567 = arith.constant 6 : index
    %get3A_568 = arith.constant 0 : index
    %get3A_569 = arith.constant 0 : index
    %get3A_570 = vector.load %arg9[%get3A_567, %get3A_568, %get3A_569] : memref<8x128x128xf32, #tpu.memory_space<vmem>>, vector<1x128x128xf32>
    %get3A_571 = vector.shape_cast %get3A_570 : vector<1x128x128xf32> to vector<128x128xf32>
    %dot_general3A_572 = arith.constant dense<0.000000e+00> : vector<64x128xf32>
    %dot_general3A_573 = tpu.matmul %max3A_566, %get3A_571, %dot_general3A_572 {dimension_numbers = #tpu.dot_dimension_numbers<[1], [0], [0], [1], [0, 0, 1, 1], [], []>, transpose_lhs_hint = false} : vector<64x128xf32>, vector<128x128xf32>, vector<64x128xf32> -> vector<64x128xf32>
    %add3A_574 = arith.addf %add3A_494, %dot_general3A_573 : vector<64x128xf32>
    %get3A_575 = arith.constant 0 : index
    %get3A_576 = arith.constant 7 : index
    %get3A_577 = arith.constant 0 : index
    %get3A_578 = vector.load %arg2[%get3A_575, %get3A_576, %get3A_577] : memref<64x8x8xf32, #tpu.memory_space<vmem>>, vector<64x1x8xf32>
    %get3A_579 = vector.shape_cast %get3A_578 : vector<64x1x8xf32> to vector<64x8xf32>
    %dot_general3A_580 = arith.constant dense<0.000000e+00> : vector<64x256xf32>
    %dot_general3A_581 = tpu.matmul %get3A_579, %convert_element_type3A_24, %dot_general3A_580 {dimension_numbers = #tpu.dot_dimension_numbers<[1], [0], [0], [1], [0, 0, 1, 1], [], []>, transpose_lhs_hint = false} : vector<64x8xf32>, vector<8x256xf32>, vector<64x256xf32> -> vector<64x256xf32>
    %get3A_582 = arith.constant 0 : index
    %get3A_583 = arith.constant 7 : index
    %get3A_584 = arith.constant 0 : index
    %get3A_585 = vector.load %arg1[%get3A_582, %get3A_583, %get3A_584] : memref<64x8x1024xf32, #tpu.memory_space<vmem>>, vector<64x1x1024xf32>
    %get3A_586 = vector.shape_cast %get3A_585 : vector<64x1x1024xf32> to vector<64x1024xf32>
    %slice3A_587 = vector.extract_strided_slice %get3A_586 {offsets = [0, 0], sizes = [64, 32], strides = [1, 1]} : vector<64x1024xf32> to vector<64x32xf32>
    %slice3A_588 = vector.extract_strided_slice %get3A_586 {offsets = [0, 128], sizes = [64, 32], strides = [1, 1]} : vector<64x1024xf32> to vector<64x32xf32>
    %slice3A_589 = vector.extract_strided_slice %get3A_586 {offsets = [0, 256], sizes = [64, 32], strides = [1, 1]} : vector<64x1024xf32> to vector<64x32xf32>
    %slice3A_590 = vector.extract_strided_slice %get3A_586 {offsets = [0, 384], sizes = [64, 32], strides = [1, 1]} : vector<64x1024xf32> to vector<64x32xf32>
    %slice3A_591 = vector.extract_strided_slice %get3A_586 {offsets = [0, 512], sizes = [64, 32], strides = [1, 1]} : vector<64x1024xf32> to vector<64x32xf32>
    %slice3A_592 = vector.extract_strided_slice %get3A_586 {offsets = [0, 640], sizes = [64, 32], strides = [1, 1]} : vector<64x1024xf32> to vector<64x32xf32>
    %slice3A_593 = vector.extract_strided_slice %get3A_586 {offsets = [0, 768], sizes = [64, 32], strides = [1, 1]} : vector<64x1024xf32> to vector<64x32xf32>
    %slice3A_594 = vector.extract_strided_slice %get3A_586 {offsets = [0, 896], sizes = [64, 32], strides = [1, 1]} : vector<64x1024xf32> to vector<64x32xf32>
    %concatenate3A_595 = tpu.concatenate %slice3A_587, %slice3A_588, %slice3A_589, %slice3A_590, %slice3A_591, %slice3A_592, %slice3A_593, %slice3A_594 in 1 : vector<64x32xf32>, vector<64x32xf32>, vector<64x32xf32>, vector<64x32xf32>, vector<64x32xf32>, vector<64x32xf32>, vector<64x32xf32>, vector<64x32xf32> -> vector<64x256xf32>
    %mul3A_596 = arith.mulf %concatenate3A_595, %dot_general3A_581 : vector<64x256xf32>
    %concatenate3A_597 = tpu.concatenate %mul3A_596, %get3A_579 in 1 : vector<64x256xf32>, vector<64x8xf32> -> vector<64x264xf32>
    %reduce_sum3A_598 = arith.constant dense<0.000000e+00> : vector<64xf32>
    %reduce_sum3A_599 = vector.multi_reduction <add>, %get3A_579, %reduce_sum3A_598 [1] : vector<64x8xf32> to vector<64xf32>
    %broadcast_in_dim3A_600 = vector.shape_cast %reduce_sum3A_599 : vector<64xf32> to vector<64x1xf32>
    %get3A_601 = arith.constant 7 : index
    %get3A_602 = arith.constant 0 : index
    %get3A_603 = arith.constant 0 : index
    %get3A_604 = vector.load %arg3[%get3A_601, %get3A_602, %get3A_603] : memref<8x264x24xf32, #tpu.memory_space<vmem>>, vector<1x264x24xf32>
    %get3A_605 = vector.shape_cast %get3A_604 : vector<1x264x24xf32> to vector<264x24xf32>
    %dot_general3A_606 = arith.constant dense<0.000000e+00> : vector<64x24xf32>
    %dot_general3A_607 = tpu.matmul %concatenate3A_597, %get3A_605, %dot_general3A_606 {dimension_numbers = #tpu.dot_dimension_numbers<[1], [0], [0], [1], [0, 0, 1, 1], [], []>, transpose_lhs_hint = false} : vector<64x264xf32>, vector<264x24xf32>, vector<64x24xf32> -> vector<64x24xf32>
    %get3A_608 = arith.constant 7 : index
    %get3A_609 = arith.constant 0 : index
    %get3A_610 = arith.constant 0 : index
    %get3A_611 = vector.load %arg4[%get3A_608, %get3A_609, %get3A_610] : memref<8x1x24xf32, #tpu.memory_space<vmem>>, vector<1x1x24xf32>
    %get3A_612 = vector.shape_cast %get3A_611 : vector<1x1x24xf32> to vector<1x24xf32>
    %add3A_613 = vector.broadcast %get3A_612 : vector<1x24xf32> to vector<64x24xf32>
    %add3A_614 = arith.addf %dot_general3A_607, %add3A_613 : vector<64x24xf32>
    %mul3A_615 = vector.broadcast %broadcast_in_dim3A_600 : vector<64x1xf32> to vector<64x24xf32>
    %mul3A_616 = arith.mulf %add3A_614, %mul3A_615 : vector<64x24xf32>
    %concatenate3A_617 = tpu.concatenate %mul3A_616, %get3A_579 in 1 : vector<64x24xf32>, vector<64x8xf32> -> vector<64x32xf32>
    %max3A_618 = arith.constant 0.000000e+00 : f32
    %max3A_619 = vector.broadcast %max3A_618 : f32 to vector<64x32xf32>
    %max3A_620 = arith.maximumf %concatenate3A_617, %max3A_619 : vector<64x32xf32>
    %get3A_621 = arith.constant 0 : index
    %get3A_622 = arith.constant 0 : index
    %get3A_623 = vector.load %arg5[%get3A_621, %get3A_622] : memref<32x128xf32, #tpu.memory_space<vmem>>, vector<32x128xf32>
    %dot_general3A_624 = arith.constant dense<0.000000e+00> : vector<64x128xf32>
    %dot_general3A_625 = tpu.matmul %max3A_620, %get3A_623, %dot_general3A_624 {dimension_numbers = #tpu.dot_dimension_numbers<[1], [0], [0], [1], [0, 0, 1, 1], [], []>, transpose_lhs_hint = false} : vector<64x32xf32>, vector<32x128xf32>, vector<64x128xf32> -> vector<64x128xf32>
    %get3A_626 = arith.constant 0 : index
    %get3A_627 = arith.constant 0 : index
    %get3A_628 = vector.load %arg6[%get3A_626, %get3A_627] : memref<1x128xf32, #tpu.memory_space<vmem>>, vector<1x128xf32>
    %add3A_629 = vector.broadcast %get3A_628 : vector<1x128xf32> to vector<64x128xf32>
    %add3A_630 = arith.addf %dot_general3A_625, %add3A_629 : vector<64x128xf32>
    %max3A_631 = arith.constant 0.000000e+00 : f32
    %max3A_632 = vector.broadcast %max3A_631 : f32 to vector<64x128xf32>
    %max3A_633 = arith.maximumf %add3A_630, %max3A_632 : vector<64x128xf32>
    %get3A_634 = arith.constant 0 : index
    %get3A_635 = arith.constant 0 : index
    %get3A_636 = vector.load %arg7[%get3A_634, %get3A_635] : memref<128x128xf32, #tpu.memory_space<vmem>>, vector<128x128xf32>
    %dot_general3A_637 = arith.constant dense<0.000000e+00> : vector<64x128xf32>
    %dot_general3A_638 = tpu.matmul %max3A_633, %get3A_636, %dot_general3A_637 {dimension_numbers = #tpu.dot_dimension_numbers<[1], [0], [0], [1], [0, 0, 1, 1], [], []>, transpose_lhs_hint = false} : vector<64x128xf32>, vector<128x128xf32>, vector<64x128xf32> -> vector<64x128xf32>
    %get3A_639 = arith.constant 0 : index
    %get3A_640 = arith.constant 0 : index
    %get3A_641 = vector.load %arg8[%get3A_639, %get3A_640] : memref<1x128xf32, #tpu.memory_space<vmem>>, vector<1x128xf32>
    %add3A_642 = vector.broadcast %get3A_641 : vector<1x128xf32> to vector<64x128xf32>
    %add3A_643 = arith.addf %dot_general3A_638, %add3A_642 : vector<64x128xf32>
    %max3A_644 = arith.constant 0.000000e+00 : f32
    %max3A_645 = vector.broadcast %max3A_644 : f32 to vector<64x128xf32>
    %max3A_646 = arith.maximumf %add3A_643, %max3A_645 : vector<64x128xf32>
    %get3A_647 = arith.constant 7 : index
    %get3A_648 = arith.constant 0 : index
    %get3A_649 = arith.constant 0 : index
    %get3A_650 = vector.load %arg9[%get3A_647, %get3A_648, %get3A_649] : memref<8x128x128xf32, #tpu.memory_space<vmem>>, vector<1x128x128xf32>
    %get3A_651 = vector.shape_cast %get3A_650 : vector<1x128x128xf32> to vector<128x128xf32>
    %dot_general3A_652 = arith.constant dense<0.000000e+00> : vector<64x128xf32>
    %dot_general3A_653 = tpu.matmul %max3A_646, %get3A_651, %dot_general3A_652 {dimension_numbers = #tpu.dot_dimension_numbers<[1], [0], [0], [1], [0, 0, 1, 1], [], []>, transpose_lhs_hint = false} : vector<64x128xf32>, vector<128x128xf32>, vector<64x128xf32> -> vector<64x128xf32>
    %add3A_654 = arith.addf %add3A_574, %dot_general3A_653 : vector<64x128xf32>
    %eq3A_655 = arith.constant 0 : i32
    %eq3A_656 = arith.cmpi eq, %arg0, %eq3A_655 : i32
    %convert_element_type3A_657 = arith.extui %eq3A_656 : i1 to i32
    %cond3A = arith.constant 0 : i32
    %cond3A_658 = arith.cmpi ne, %convert_element_type3A_657, %cond3A : i32
    scf.if %cond3A_658 {
      %swap3A = arith.constant 0 : index
      %swap3A_669 = arith.constant 0 : index
      %swap3A_670 = vector.load %arg16[%swap3A, %swap3A_669] : memref<64x128xf32, #tpu.memory_space<vmem>>, vector<64x128xf32>
      tpu.vector_store %arg16[%swap3A, %swap3A_669], %add3A_654 {strides = array<i32>} : memref<64x128xf32, #tpu.memory_space<vmem>>, vector<64x128xf32>,
    } else {
    }
    %ne3A_659 = arith.constant 0 : i32
    %ne3A_660 = arith.cmpi ne, %arg0, %ne3A_659 : i32
    %convert_element_type3A_661 = arith.extui %ne3A_660 : i1 to i32
    %cond3A_662 = arith.constant 0 : i32
    %cond3A_663 = arith.cmpi ne, %convert_element_type3A_661, %cond3A_662 : i32
    scf.if %cond3A_663 {
      %get3A_669 = arith.constant 0 : index
      %get3A_670 = arith.constant 0 : index
      %get3A_671 = vector.load %arg16[%get3A_669, %get3A_670] : memref<64x128xf32, #tpu.memory_space<vmem>>, vector<64x128xf32>
      %add3A_672 = arith.addf %get3A_671, %add3A_654 : vector<64x128xf32>
      %swap3A = arith.constant 0 : index
      %swap3A_673 = arith.constant 0 : index
      %swap3A_674 = vector.load %arg16[%swap3A, %swap3A_673] : memref<64x128xf32, #tpu.memory_space<vmem>>, vector<64x128xf32>
      tpu.vector_store %arg16[%swap3A, %swap3A_673], %add3A_672 {strides = array<i32>} : memref<64x128xf32, #tpu.memory_space<vmem>>, vector<64x128xf32>,
    } else {
    }
    %eq3A_664 = arith.constant 7 : i32
    %eq3A_665 = arith.cmpi eq, %arg0, %eq3A_664 : i32
    %convert_element_type3A_666 = arith.extui %eq3A_665 : i1 to i32
    %cond3A_667 = arith.constant 0 : i32
    %cond3A_668 = arith.cmpi ne, %convert_element_type3A_666, %cond3A_667 : i32
    scf.if %cond3A_668 {
      %get3A_669 = arith.constant 0 : index
      %get3A_670 = arith.constant 0 : index
      %get3A_671 = vector.load %arg16[%get3A_669, %get3A_670] : memref<64x128xf32, #tpu.memory_space<vmem>>, vector<64x128xf32>
      %get3A_672 = arith.constant 0 : index
      %get3A_673 = arith.constant 0 : index
      %get3A_674 = vector.load %arg10[%get3A_672, %get3A_673] : memref<1x128xf32, #tpu.memory_space<vmem>>, vector<1x128xf32>
      %add3A_675 = vector.broadcast %get3A_674 : vector<1x128xf32> to vector<64x128xf32>
      %add3A_676 = arith.addf %get3A_671, %add3A_675 : vector<64x128xf32>
      %max3A_677 = arith.constant 0.000000e+00 : f32
      %max3A_678 = vector.broadcast %max3A_677 : f32 to vector<64x128xf32>
      %max3A_679 = arith.maximumf %add3A_676, %max3A_678 : vector<64x128xf32>
      %get3A_680 = arith.constant 0 : index
      %get3A_681 = arith.constant 0 : index
      %get3A_682 = vector.load %arg11[%get3A_680, %get3A_681] : memref<128x128xf32, #tpu.memory_space<vmem>>, vector<128x128xf32>
      %dot_general3A_683 = arith.constant dense<0.000000e+00> : vector<64x128xf32>
      %dot_general3A_684 = tpu.matmul %max3A_679, %get3A_682, %dot_general3A_683 {dimension_numbers = #tpu.dot_dimension_numbers<[1], [0], [0], [1], [0, 0, 1, 1], [], []>, transpose_lhs_hint = false} : vector<64x128xf32>, vector<128x128xf32>, vector<64x128xf32> -> vector<64x128xf32>
      %get3A_685 = arith.constant 0 : index
      %get3A_686 = arith.constant 0 : index
      %get3A_687 = vector.load %arg12[%get3A_685, %get3A_686] : memref<1x128xf32, #tpu.memory_space<vmem>>, vector<1x128xf32>
      %add3A_688 = vector.broadcast %get3A_687 : vector<1x128xf32> to vector<64x128xf32>
      %add3A_689 = arith.addf %dot_general3A_684, %add3A_688 : vector<64x128xf32>
      %max3A_690 = arith.constant 0.000000e+00 : f32
      %max3A_691 = vector.broadcast %max3A_690 : f32 to vector<64x128xf32>
      %max3A_692 = arith.maximumf %add3A_689, %max3A_691 : vector<64x128xf32>
      %get3A_693 = arith.constant 0 : index
      %get3A_694 = arith.constant 0 : index
      %get3A_695 = vector.load %arg13[%get3A_693, %get3A_694] : memref<128x10xf32, #tpu.memory_space<vmem>>, vector<128x10xf32>
      %dot_general3A_696 = arith.constant dense<0.000000e+00> : vector<64x10xf32>
      %dot_general3A_697 = tpu.matmul %max3A_692, %get3A_695, %dot_general3A_696 {dimension_numbers = #tpu.dot_dimension_numbers<[1], [0], [0], [1], [0, 0, 1, 1], [], []>, transpose_lhs_hint = false} : vector<64x128xf32>, vector<128x10xf32>, vector<64x10xf32> -> vector<64x10xf32>
      %get3A_698 = arith.constant 0 : index
      %get3A_699 = arith.constant 0 : index
      %get3A_700 = vector.load %arg14[%get3A_698, %get3A_699] : memref<1x10xf32, #tpu.memory_space<vmem>>, vector<1x10xf32>
      %add3A_701 = vector.broadcast %get3A_700 : vector<1x10xf32> to vector<64x10xf32>
      %add3A_702 = arith.addf %dot_general3A_697, %add3A_701 : vector<64x10xf32>
      %swap3A = arith.constant 0 : index
      %swap3A_703 = arith.constant 0 : index
      %swap3A_704 = vector.load %arg15[%swap3A, %swap3A_703] : memref<64x10xf32, #tpu.memory_space<vmem>>, vector<64x10xf32>
      tpu.vector_store %arg15[%swap3A, %swap3A_703], %add3A_702 {strides = array<i32>} : memref<64x10xf32, #tpu.memory_space<vmem>>, vector<64x10xf32>,
    } else {
    }
    return
  }
  func.func @transform_0(%arg0: i32) -> (i32, i32, i32) {
    %c0_i32 = arith.constant 0 : i32
    %c0_i32_0 = arith.constant 0 : i32
    %c0_i32_1 = arith.constant 0 : i32
    return %c0_i32, %arg0, %c0_i32_0 : i32, i32, i32
  }
  func.func @transform_1(%arg0: i32) -> (i32, i32, i32) {
    %c0_i32 = arith.constant 0 : i32
    %c0_i32_0 = arith.constant 0 : i32
    %c0_i32_1 = arith.constant 0 : i32
    return %c0_i32, %arg0, %c0_i32_0 : i32, i32, i32
  }
  func.func @transform_2(%arg0: i32) -> (i32, i32, i32) {
    %c0_i32 = arith.constant 0 : i32
    %c0_i32_0 = arith.constant 0 : i32
    %c0_i32_1 = arith.constant 0 : i32
    return %arg0, %c0_i32, %c0_i32_0 : i32, i32, i32
  }
  func.func @transform_3(%arg0: i32) -> (i32, i32, i32) {
    %c0_i32 = arith.constant 0 : i32
    %c0_i32_0 = arith.constant 0 : i32
    %c0_i32_1 = arith.constant 0 : i32
    return %arg0, %c0_i32, %c0_i32_0 : i32, i32, i32
  }
  func.func @transform_4(%arg0: i32) -> (i32, i32) {
    %c0_i32 = arith.constant 0 : i32
    %c0_i32_0 = arith.constant 0 : i32
    %c0_i32_1 = arith.constant 0 : i32
    return %c0_i32, %c0_i32_0 : i32, i32
  }
  func.func @transform_5(%arg0: i32) -> (i32, i32) {
    %c0_i32 = arith.constant 0 : i32
    %c0_i32_0 = arith.constant 0 : i32
    %c0_i32_1 = arith.constant 0 : i32
    return %c0_i32, %c0_i32_0 : i32, i32
  }
  func.func @transform_6(%arg0: i32) -> (i32, i32) {
    %c0_i32 = arith.constant 0 : i32
    %c0_i32_0 = arith.constant 0 : i32
    %c0_i32_1 = arith.constant 0 : i32
    return %c0_i32, %c0_i32_0 : i32, i32
  }
  func.func @transform_7(%arg0: i32) -> (i32, i32) {
    %c0_i32 = arith.constant 0 : i32
    %c0_i32_0 = arith.constant 0 : i32
    %c0_i32_1 = arith.constant 0 : i32
    return %c0_i32, %c0_i32_0 : i32, i32
  }
  func.func @transform_8(%arg0: i32) -> (i32, i32, i32) {
    %c0_i32 = arith.constant 0 : i32
    %c0_i32_0 = arith.constant 0 : i32
    %c0_i32_1 = arith.constant 0 : i32
    return %arg0, %c0_i32, %c0_i32_0 : i32, i32, i32
  }
  func.func @transform_9(%arg0: i32) -> (i32, i32) {
    %c0_i32 = arith.constant 0 : i32
    %c0_i32_0 = arith.constant 0 : i32
    %c0_i32_1 = arith.constant 0 : i32
    return %c0_i32, %c0_i32_0 : i32, i32
  }
  func.func @transform_10(%arg0: i32) -> (i32, i32) {
    %c0_i32 = arith.constant 0 : i32
    %c0_i32_0 = arith.constant 0 : i32
    %c0_i32_1 = arith.constant 0 : i32
    return %c0_i32, %c0_i32_0 : i32, i32
  }
  func.func @transform_11(%arg0: i32) -> (i32, i32) {
    %c0_i32 = arith.constant 0 : i32
    %c0_i32_0 = arith.constant 0 : i32
    %c0_i32_1 = arith.constant 0 : i32
    return %c0_i32, %c0_i32_0 : i32, i32
  }
  func.func @transform_12(%arg0: i32) -> (i32, i32) {
    %c0_i32 = arith.constant 0 : i32
    %c0_i32_0 = arith.constant 0 : i32
    %c0_i32_1 = arith.constant 0 : i32
    return %c0_i32, %c0_i32_0 : i32, i32
  }
  func.func @transform_13(%arg0: i32) -> (i32, i32) {
    %c0_i32 = arith.constant 0 : i32
    %c0_i32_0 = arith.constant 0 : i32
    %c0_i32_1 = arith.constant 0 : i32
    return %c0_i32, %c0_i32_0 : i32, i32
  }
  func.func @transform_14(%arg0: i32) -> (i32, i32) {
    %c0_i32 = arith.constant 0 : i32
    %c0_i32_0 = arith.constant 0 : i32
    %c0_i32_1 = arith.constant 0 : i32
    return %c0_i32, %c0_i32_0 : i32, i32
  }
}

</mosaic_0001>

<sc_bundles>
// kernel: kernel.5.cloned.1.call-start
scs
__scs_entry_jumppad:
0x0: {  	(pc) =	sbr.rel $0x88, $3  }
0x1: {  	(tag) =	ssettag $0x0;
	lr =	simm.s32 $0x1  }
0x2: {  	[smem:$0x3F90] =	sst lr;
	_ =	strace $0xD0000000  }
0x3: {  	_ = 	snop  }
0x4: {  	_ = 	snop  }
0x5: {  	_ = 	snop  }
0x6: {  	_ = 	snop  }
0x7: {  	_ = 	snop  }
__scs_overlays_trampoline_lowered:
0x8: {  	[smem:$0x3F9F] =	sst s0  }
0x9: {  	[smem:$0x3FA0] =	sst s1  }
0xa: {  	[smem:$0x3FA1] =	sst s2  }
0xb: {  	[smem:$0x3FA2] =	sst s3  }
0xc: {  	[smem:$0x3FA3] =	sst s4  }
0xd: {  	[smem:$0x3FA4] =	sst s5  }
0xe: {  	[smem:$0x3FA5] =	sst s6  }
0xf: {  	[smem:$0x3FA6] =	sst s7  }
0x10: {  	[smem:$0x3FA7] =	sst s8  }
0x11: {  	[smem:$0x3FA8] =	sst s9;
	s0 =	simm.s32 @!p0 $0x0  }
0x12: {  	s1 =	sld [smem:$0x3F8E];
	s0 =	simm.s32 @p0 $0x1  }
0x13: {  	[smem:$0x3FA9] =	sst s0;
	s0 =	simm.s32 @!p1 $0x0  }
0x14: {  	s2 =	sld [smem:$0x3F8D];
	s0 =	simm.s32 @p1 $0x1  }
0x15: {  	[smem:$0x3FAA] =	sst s0;
	s0 =	simm.s32 @!p2 $0x0  }
0x16: {  	s3 =	sld [smem:$0x3FDB];
	s0 =	simm.s32 @p2 $0x1  }
0x17: {  	s4 =	simm.s32 $0x1BF5;
	[smem:$0x3FAC] =	sst s0  }
0x18: {  	s0 =	sld [smem:$0x3F8F];
	_ =	swait.ge [sflag:s4], $0x0  }
0x19: {  	s7 =	sld [smem:$0x3F90]  }
0x1a: {  	s8 =	sadd.s32 $0xFFFFE003, lr  }
0x1b: {  	s9 =	sadd.s32 $0xFFFFFEF7, lr;
	s5 =	simm.s32 $0xFFFFFFFF;
	p2 =	slt.u32 s8, $0xFFFFF086  }
0x1c: {  	p1 =	slt.u32 s9, $0xF7A;
	s5 =	simm.s32 @!p2 $0x0  }
0x1d: {  	s5 =	simm.s32 @p1 $0x1;
	p0 =	seq.s32 s7, s2  }
0x1e: {  	s7 =	smul.u32 @!p0 $0xF7A, s2;
	p2 =	seq.s32 @!p0 s5, $0x0  }
0x1f: {  	s9 =	smul.u32 $0xF7A, s1;
	s8 =	simm.s32 @!p0 $0x1BF5;
	p2 =	por !p2, p0  }
0x20: {  	[sflag:s8] =	ssyncset.s32 @!p0 $0xFFFFF086;
	s6 =	sadd.s32 @!p0 s3, s7;
	s7 =	simm.s32 @!p0 $0x108  }
0x21: {  	s3 =	sadd.s32 s3, s9;
	s6 =	sadd.s32 @!p0 $0x88, s6;
	s7 =	simm.s32 @p2 $0x1082  }
0x22: {  	[simem:s7], [sflag:s8] =	dma.local @!p0 [hbm:s6], $0xF7A  }
0x23: {  	s9 =	sor.u32 $0xD0000000, s2;
	s6 =	simm.s32 $0x108;
	_ =	swait.ge @!p0 [sflag:s8], $0x0  }
0x24: {  	s3 =	sadd.s32 $0x88, s3;
	s6 =	simm.s32 @!p1 $0x1082;
	[sflag:s4] =	ssyncset.s32 $0xFFFFF086  }
0x25: {  	[simem:s6], [sflag:s4] =	dma.local [hbm:s3], $0xF7A  }
0x26: {  	[smem:$0x3F90] =	sst s1;
	(tag) =	ssettag s2;
	_ =	strace s9  }
0x27: {  	s1 =	sld [smem:$0x3FA0]  }
0x28: {  	s2 =	sld [smem:$0x3FA1]  }
0x29: {  	s4 =	sld [smem:$0x3FA3]  }
0x2a: {  	p0 =	seq.s32 s5, $0x0;
	s5 =	sld [smem:$0x3FA4]  }
0x2b: {  	s6 =	sld [smem:$0x3FA5]  }
0x2c: {  	s7 =	sld [smem:$0x3FA6]  }
0x2d: {  	s3 =	simm.s32 $0x108;
	s8 =	sld [smem:$0x3FA7]  }
0x2e: {  	s3 =	simm.s32 @!p0 $0x1082;
	s9 =	sld [smem:$0x3FA8]  }
0x2f: {  	lr =	sadd.s32 s0, s3;
	s0 =	sld [smem:$0x3F9F]  }
0x30: {  	s3 =	sld [smem:$0x3FA2]  }
0x31: {  	[smem:$0x3FAB] =	sst s10  }
0x32: {  	s10 =	sld [smem:$0x3FA9];
	_ =	sdelay $0x3  }
0x33: {  	p0 =	seq.s32 s10, $0x1;
	s10 =	sld [smem:$0x3FAB];
	_ =	sdelay $0x3  }
0x34: {  	[smem:$0x3FAB] =	sst s10  }
0x35: {  	s10 =	sld [smem:$0x3FAA];
	_ =	sdelay $0x3  }
0x36: {  	p1 =	seq.s32 s10, $0x1;
	s10 =	sld [smem:$0x3FAB];
	_ =	sdelay $0x3  }
0x37: {  	[smem:$0x3FAB] =	sst s10  }
0x38: {  	s10 =	sld [smem:$0x3FAC]  }
0x39: {  	_ = 	snop;
	(pc) =	sbr.ind lr, $3  }
0x3a: {  	_ = 	snop  }
0x3b: {  	_ = 	snop  }
0x3c: {  	p2 =	seq.s32 s10, $0x1;
	s10 =	sld [smem:$0x3FAB]  }
0x3d: {  	_ =	shalt  }
0x3e: {  	_ =	shalt  }
0x3f: {  	_ =	shalt  }
0x40: {  	_ =	shalt  }
0x41: {  	_ =	shalt  }
0x42: {  	_ =	shalt  }
0x43: {  	_ =	shalt  }
0x44: {  	_ =	shalt  }
0x45: {  	_ =	shalt  }
0x46: {  	_ =	shalt  }
0x47: {  	_ =	shalt  }
0x48: {  	_ =	shalt  }
0x49: {  	_ =	shalt  }
0x4a: {  	_ =	shalt  }
0x4b: {  	_ =	shalt  }
0x4c: {  	_ =	shalt  }
0x4d: {  	_ =	shalt  }
0x4e: {  	_ =	shalt  }
0x4f: {  	_ =	shalt  }
0x50: {  	_ =	shalt  }
0x51: {  	_ =	shalt  }
0x52: {  	_ =	shalt  }
0x53: {  	_ =	shalt  }
0x54: {  	_ =	shalt  }
0x55: {  	_ =	shalt  }
0x56: {  	_ =	shalt  }
0x57: {  	_ =	shalt  }
0x58: {  	_ =	shalt  }
0x59: {  	_ =	shalt  }
0x5a: {  	_ =	shalt  }
0x5b: {  	_ =	shalt  }
0x5c: {  	_ =	shalt  }
0x5d: {  	_ =	shalt  }
0x5e: {  	_ =	shalt  }
0x5f: {  	_ =	shalt  }
0x60: {  	_ =	shalt  }
0x61: {  	_ =	shalt  }
0x62: {  	_ =	shalt  }
0x63: {  	_ =	shalt  }
0x64: {  	_ =	shalt  }
0x65: {  	_ =	shalt  }
0x66: {  	_ =	shalt  }
0x67: {  	_ =	shalt  }
0x68: {  	_ =	shalt  }
0x69: {  	_ =	shalt  }
0x6a: {  	_ =	shalt  }
0x6b: {  	_ =	shalt  }
0x6c: {  	_ =	shalt  }
0x6d: {  	_ =	shalt  }
0x6e: {  	_ =	shalt  }
0x6f: {  	_ =	shalt  }
0x70: {  	_ =	shalt  }
0x71: {  	_ =	shalt  }
0x72: {  	_ =	shalt  }
0x73: {  	_ =	shalt  }
0x74: {  	_ =	shalt  }
0x75: {  	_ =	shalt  }
0x76: {  	_ =	shalt  }
0x77: {  	_ =	shalt  }
0x78: {  	_ =	shalt  }
0x79: {  	_ =	shalt  }
0x7a: {  	_ =	shalt  }
0x7b: {  	_ =	shalt  }
0x7c: {  	_ =	shalt  }
0x7d: {  	_ =	shalt  }
0x7e: {  	_ =	shalt  }
0x7f: {  	_ =	shalt  }
0x80: {  	_ =	shalt  }
0x81: {  	_ =	shalt  }
0x82: {  	_ =	shalt  }
0x83: {  	_ =	shalt  }
0x84: {  	_ =	shalt  }
0x85: {  	_ =	shalt  }
0x86: {  	_ =	shalt  }
0x87: {  	_ =	shalt  }
.Lfunc_end0:
.L_simem_size_0:
called_computation_lowered:
.L_overlay_start_0:
0x88: {  	s2 =	sld [smem:$0x3FD9]  }
0x89: {  	s3 =	sld [smem:$0x3FFE];
	_ =	sdelay $0x1  }
0x8a: {  	s1 =	srdreg.scid  }
0x8b: {  	s0 =	sand.u32 $0x1, s1  }
0x8c: {  	s16 =	sshll.u32 s0, $0xA;
	s2 =	sadd.s32 s3, s2  }
0x8d: {  	s2 =	sadd.s32 s2, s16  }
0x8e: {  	[smem:$0x3FB7] =	sst s2  }
0x8f: {  	_ = 	snop  }
0x90: {  	(tm) =	ssettm $0x1  }
0x91: {  	s17 =	sld [smem:$0x3FFB];
	_ =	sdelay $0x3  }
0x92: {  	_ =	strace s17  }
0x93: {  	s2 =	sld [smem:$0x3FFC];
	_ =	sdelay $0x3  }
0x94: {  	_ =	strace s2  }
0x95: {  	s2 =	sld [smem:$0x3FFD];
	_ =	sdelay $0x3  }
0x96: {  	_ =	strace s2  }
0x97: {  	_ =	strace $0x8FFFFFFF  }
0x98: {  	s18 =	sld [smem:$0x3FDB];
	_ =	sdelay $0x1  }
0x99: {  	s19 =	simm.s32 $_scs_section_size  }
0x9a: {  	s4 =	simm.s32 $_size__tile_overlayer_lowered;
	s5 =	simm.s32 $_tile_overlayer_lowered  }
0x9b: {  	s22 =	simm.s32 $0x1BFF;
	s21 =	sshll.u32 s5, $0x1;
	s2 =	sadd.s32 s19, s18  }
0x9c: {  	s6 =	simm.s32 $0x0;
	s20 =	sshll.u32 s4, $0x1;
	s4 =	sadd.s32 s21, s2  }
0x9d: {  	[timem:s6], [sflag:s22] =	dma.local [hbm:s4], s20  }
0x9e: {  	_ =	swait.ge [sflag:s22], s20  }
0x9f: {  	s3 =	ssub.s32 $0x0, s20;
	[sflag:s22] =	ssyncset.done $0x0  }
0xa0: {  	[sflag:s22] =	ssyncadd.s32 s3;
	_ =	sdelay $0x1  }
0xa1: {  	s23 =	simm.s32 $0x1B8B  }
0xa2: {  	_ =	swait.ge [sflag:s23], $0x1  }
0xa3: {  	[sflag:s23] =	ssyncset.done $0x0  }
0xa4: {  	s25 =	simm.s32 $0x1B8E;
	s24 =	sld [smem:$0x3FFE];
	[sflag:s23] =	ssyncadd.s32 $0xFFFFFFFF  }
0xa5: {  	s26 =	simm.s32 $execute0_lowered;
	[smem:$0x3FD2] =	sst s25  }
0xa6: {  	s4 =	sshll.u32 s26, $0x1;
	_ =	strace $0x80000046;
	[dreg:$0x1] =	wrdreg $0xFFFFFFFF  }
0xa7: {  	s28 =	simm.s32 $_size_execute0_lowered;
	s2 =	sadd.s32 s2, s4;
	[dreg:$0x0] =	wrdreg $0x0  }
0xa8: {  	s4 =	sshll.u32 s28, $0x1;
	[dreg:$0x2] =	wrdreg s2  }
0xa9: {  	[dreg:$0x3] =	wrdreg s4  }
0xaa: {  	[dreg:$0x4] =	wrdreg $0xC0  }
0xab: {  	_ =	task [dreg:s6], $0x5FFFF  }
0xac: {  	[dreg:$0x1] =	wrdreg $0xFFFFFFFF  }
0xad: {  	[dreg:$0x0] =	wrdreg $0x60  }
0xae: {  	[dreg:$0x2] =	wrdreg s24  }
0xaf: {  	[dreg:$0x3] =	wrdreg $0x9  }
0xb0: {  	_ =	task.clear_ibuf [dreg:s6], $0x4FFFF;
	_ =	strace $0x90000046  }
0xb1: {  	s29 =	simm.s32 $0x9;
	_ =	strace $0x80000048  }
0xb2: {  	_ =	swait.ge [sflag:s29], $0x1  }
0xb3: {  	[sflag:s29] =	ssyncadd.s32 $0xFFFFFFFF  }
0xb4: {  	_ =	strace $0x90000048  }
0xb5: {  	_ =	sfence  }
0xb6: {  	s30 =	sld [smem:$0x0];
	_ =	sdelay $0x2  }
0xb7: {  	s31 =	sshll.u32 s1, $0xD;
	s1 =	sshrl.u32 s1, $0x2  }
0xb8: {  	s3 =	sand.u32 $0x4000, s31;
	s1 =	sadd.s32 s1, s30  }
0xb9: {  	s0 =	sor.u32 s3, s0;
	s1 =	sshll.u32 s1, $0x11  }
0xba: {  	s0 =	sor.u32 s1, s0  }
0xbb: {  	s0 =	sadd.s32 $0x8F2B, s0  }
0xbc: {  	[sflag:s0] =	ssyncadd.remote.s32 $0x1  }
0xbd: {  	_ =	sfence.sel $0xFFFF  }
0xbe: {  	[dreg:$0x0] =	wrdreg $0xFFFFFFFF;
	(pc) =	sbr.abs _section_cstart, $3  }
0xbf: {  	[dreg:$0x1] =	wrdreg $0xFFFFFFFF  }
0xc0: {  	_ =	task.clear_ibuf [dreg:s6], $0x2FFFF;
	_ =	strace $0x9FFFFFFF  }
0xc1: {  	(tm) =	ssettm $0x7FFFFFFF  }
tec
execute0_lowered:
.L_overlay_start_1:
0x0: {  	(tag) =	ssettag $0x1  }
0x1: {  	s1 =	srdreg.scid  }
0x2: {  	s0 =	stileid.u32;
	s22 =	sand.u32 $0x1, s1  }
0x3: {  	s8 =	rddreg [dreg:$0x0];
	s3 =	sshll.u32 s0, $0xB;
	s4 =	sshll.u32 s22, $0xA  }
0x4: {  	s2 =	simm.s32 $0x0;
	s1 =	rddreg [dreg:$0x1];
	s24 =	sor.u32 s4, s3  }
0x5: {  	[smem:$0x7FF] =	sst s2;
	s21 =	sadd.s32 $0x42800, s8;
	s3 =	sshrl.u32 s24, $0x3  }
0x6: {  	_ =	strace $0x80000047;
	s4 =	sadd.s32 s21, s3;
	s3 =	simm.s32 $0x2  }
0x7: {  	[tilespmem:s2], [sflag:$0x2] =	stream.linear.gather [hbm4b:s4+s2], $0x80, $0x38;
	[tilespmem:$0x4080] =	vst v63  }
0x8: {  	_ =	swait.ge [sflag:s3], $0x80  }
0x9: {  	s6 =	simm.s32 $0x80;
	[sflag:s3] =	ssyncset.done $0x0  }
0xa: {  	s7 =	simm.s32 $0x1;
	s5 =	sadd.s32 $0x2800, s8;
	[sflag:s3] =	ssyncadd.s32 $0xFFFFFF80  }
0xb: {  	[tilespmem:s6], [sflag:$0x1] =	stream.indirect.gather [hbm4b:s5+s6], $0x80, s2, s6, $0xb8;
	[tilespmem:$0x4080] =	vst v63  }
0xc: {  	_ =	swait.ge [sflag:s7], $0x4000  }
0xd: {  	s23 =	sadd.s32 $0x43800, s8;
	s28 =	sshll.u32 s24, $0x4;
	[sflag:s7] =	ssyncset.done $0x0  }
0xe: {  	s8 =	sadd.s32 s23, s28;
	[sflag:s7] =	ssyncadd.s32 $0xFFFFC000  }
0xf: {  	[hbm4b:s8+s2] =	stream.linear.scatter [tilespmem:s6], [sflag:$0x2], $0x4000, $0x38;
	[tilespmem:$0x4080] =	vst v63  }
0x10: {  	s10 =	sor.u32 $0x80, s24;
	_ =	swait.ge [sflag:s3], $0x4000  }
0x11: {  	s9 =	sshrl.u32 s10, $0x3;
	[sflag:s3] =	ssyncset.done $0x0  }
0x12: {  	s9 =	sadd.s32 s21, s9;
	[sflag:s3] =	ssyncadd.s32 $0xFFFFC000  }
0x13: {  	[tilespmem:s2], [sflag:$0x2] =	stream.linear.gather [hbm4b:s9+s2], $0x80, $0x38;
	[tilespmem:$0x4080] =	vst v63  }
0x14: {  	_ =	swait.ge [sflag:s3], $0x80  }
0x15: {  	[sflag:s3] =	ssyncset.done $0x0  }
0x16: {  	[sflag:s3] =	ssyncadd.s32 $0xFFFFFF80  }
0x17: {  	[tilespmem:s6], [sflag:$0x1] =	stream.indirect.gather [hbm4b:s5+s6], $0x80, s2, s6, $0xb8;
	[tilespmem:$0x4080] =	vst v63  }
0x18: {  	_ =	swait.ge [sflag:s7], $0x4000  }
0x19: {  	s10 =	sshll.u32 s10, $0x4;
	[sflag:s7] =	ssyncset.done $0x0  }
0x1a: {  	s10 =	sadd.s32 s23, s10;
	[sflag:s7] =	ssyncadd.s32 $0xFFFFC000  }
0x1b: {  	[hbm4b:s10+s2] =	stream.linear.scatter [tilespmem:s6], [sflag:$0x2], $0x4000, $0x38;
	[tilespmem:$0x4080] =	vst v63  }
0x1c: {  	s12 =	sor.u32 $0x100, s24;
	_ =	swait.ge [sflag:s3], $0x4000  }
0x1d: {  	s11 =	sshrl.u32 s12, $0x3;
	[sflag:s3] =	ssyncset.done $0x0  }
0x1e: {  	s11 =	sadd.s32 s21, s11;
	[sflag:s3] =	ssyncadd.s32 $0xFFFFC000  }
0x1f: {  	[tilespmem:s2], [sflag:$0x2] =	stream.linear.gather [hbm4b:s11+s2], $0x80, $0x38;
	[tilespmem:$0x4080] =	vst v63  }
0x20: {  	_ =	swait.ge [sflag:s3], $0x80  }
0x21: {  	[sflag:s3] =	ssyncset.done $0x0  }
0x22: {  	[sflag:s3] =	ssyncadd.s32 $0xFFFFFF80  }
0x23: {  	[tilespmem:s6], [sflag:$0x1] =	stream.indirect.gather [hbm4b:s5+s6], $0x80, s2, s6, $0xb8;
	[tilespmem:$0x4080] =	vst v63  }
0x24: {  	_ =	swait.ge [sflag:s7], $0x4000  }
0x25: {  	s12 =	sshll.u32 s12, $0x4;
	[sflag:s7] =	ssyncset.done $0x0  }
0x26: {  	s12 =	sadd.s32 s23, s12;
	[sflag:s7] =	ssyncadd.s32 $0xFFFFC000  }
0x27: {  	[hbm4b:s12+s2] =	stream.linear.scatter [tilespmem:s6], [sflag:$0x2], $0x4000, $0x38;
	[tilespmem:$0x4080] =	vst v63  }
0x28: {  	s14 =	sor.u32 $0x180, s24;
	_ =	swait.ge [sflag:s3], $0x4000  }
0x29: {  	s13 =	sshrl.u32 s14, $0x3;
	[sflag:s3] =	ssyncset.done $0x0  }
0x2a: {  	s13 =	sadd.s32 s21, s13;
	[sflag:s3] =	ssyncadd.s32 $0xFFFFC000  }
0x2b: {  	[tilespmem:s2], [sflag:$0x2] =	stream.linear.gather [hbm4b:s13+s2], $0x80, $0x38;
	[tilespmem:$0x4080] =	vst v63  }
0x2c: {  	_ =	swait.ge [sflag:s3], $0x80  }
0x2d: {  	[sflag:s3] =	ssyncset.done $0x0  }
0x2e: {  	[sflag:s3] =	ssyncadd.s32 $0xFFFFFF80  }
0x2f: {  	[tilespmem:s6], [sflag:$0x1] =	stream.indirect.gather [hbm4b:s5+s6], $0x80, s2, s6, $0xb8;
	[tilespmem:$0x4080] =	vst v63  }
0x30: {  	_ =	swait.ge [sflag:s7], $0x4000  }
0x31: {  	s14 =	sshll.u32 s14, $0x4;
	[sflag:s7] =	ssyncset.done $0x0  }
0x32: {  	s14 =	sadd.s32 s23, s14;
	[sflag:s7] =	ssyncadd.s32 $0xFFFFC000  }
0x33: {  	[hbm4b:s14+s2] =	stream.linear.scatter [tilespmem:s6], [sflag:$0x2], $0x4000, $0x38;
	[tilespmem:$0x4080] =	vst v63  }
0x34: {  	s16 =	sor.u32 $0x200, s24;
	_ =	swait.ge [sflag:s3], $0x4000  }
0x35: {  	s15 =	sshrl.u32 s16, $0x3;
	[sflag:s3] =	ssyncset.done $0x0  }
0x36: {  	s15 =	sadd.s32 s21, s15;
	[sflag:s3] =	ssyncadd.s32 $0xFFFFC000  }
0x37: {  	[tilespmem:s2], [sflag:$0x2] =	stream.linear.gather [hbm4b:s15+s2], $0x80, $0x38;
	[tilespmem:$0x4080] =	vst v63  }
0x38: {  	_ =	swait.ge [sflag:s3], $0x80  }
0x39: {  	[sflag:s3] =	ssyncset.done $0x0  }
0x3a: {  	[sflag:s3] =	ssyncadd.s32 $0xFFFFFF80  }
0x3b: {  	[tilespmem:s6], [sflag:$0x1] =	stream.indirect.gather [hbm4b:s5+s6], $0x80, s2, s6, $0xb8;
	[tilespmem:$0x4080] =	vst v63  }
0x3c: {  	_ =	swait.ge [sflag:s7], $0x4000  }
0x3d: {  	s16 =	sshll.u32 s16, $0x4;
	[sflag:s7] =	ssyncset.done $0x0  }
0x3e: {  	s16 =	sadd.s32 s23, s16;
	[sflag:s7] =	ssyncadd.s32 $0xFFFFC000  }
0x3f: {  	[hbm4b:s16+s2] =	stream.linear.scatter [tilespmem:s6], [sflag:$0x2], $0x4000, $0x38;
	[tilespmem:$0x4080] =	vst v63  }
0x40: {  	s18 =	sor.u32 $0x280, s24;
	_ =	swait.ge [sflag:s3], $0x4000  }
0x41: {  	s17 =	sshrl.u32 s18, $0x3;
	[sflag:s3] =	ssyncset.done $0x0  }
0x42: {  	s17 =	sadd.s32 s21, s17;
	[sflag:s3] =	ssyncadd.s32 $0xFFFFC000  }
0x43: {  	[tilespmem:s2], [sflag:$0x2] =	stream.linear.gather [hbm4b:s17+s2], $0x80, $0x38;
	[tilespmem:$0x4080] =	vst v63  }
0x44: {  	_ =	swait.ge [sflag:s3], $0x80  }
0x45: {  	[sflag:s3] =	ssyncset.done $0x0  }
0x46: {  	[sflag:s3] =	ssyncadd.s32 $0xFFFFFF80  }
0x47: {  	[tilespmem:s6], [sflag:$0x1] =	stream.indirect.gather [hbm4b:s5+s6], $0x80, s2, s6, $0xb8;
	[tilespmem:$0x4080] =	vst v63  }
0x48: {  	_ =	swait.ge [sflag:s7], $0x4000  }
0x49: {  	s18 =	sshll.u32 s18, $0x4;
	[sflag:s7] =	ssyncset.done $0x0  }
0x4a: {  	s18 =	sadd.s32 s23, s18;
	[sflag:s7] =	ssyncadd.s32 $0xFFFFC000  }
0x4b: {  	[hbm4b:s18+s2] =	stream.linear.scatter [tilespmem:s6], [sflag:$0x2], $0x4000, $0x38;
	[tilespmem:$0x4080] =	vst v63  }
0x4c: {  	s20 =	sor.u32 $0x300, s24;
	_ =	swait.ge [sflag:s3], $0x4000  }
0x4d: {  	s19 =	sshrl.u32 s20, $0x3;
	[sflag:s3] =	ssyncset.done $0x0  }
0x4e: {  	s19 =	sadd.s32 s21, s19;
	[sflag:s3] =	ssyncadd.s32 $0xFFFFC000  }
0x4f: {  	[tilespmem:s2], [sflag:$0x2] =	stream.linear.gather [hbm4b:s19+s2], $0x80, $0x38;
	[tilespmem:$0x4080] =	vst v63  }
0x50: {  	_ =	swait.ge [sflag:s3], $0x80  }
0x51: {  	[sflag:s3] =	ssyncset.done $0x0  }
0x52: {  	[sflag:s3] =	ssyncadd.s32 $0xFFFFFF80  }
0x53: {  	[tilespmem:s6], [sflag:$0x1] =	stream.indirect.gather [hbm4b:s5+s6], $0x80, s2, s6, $0xb8;
	[tilespmem:$0x4080] =	vst v63  }
0x54: {  	_ =	swait.ge [sflag:s7], $0x4000  }
0x55: {  	s20 =	sshll.u32 s20, $0x4;
	[sflag:s7] =	ssyncset.done $0x0  }
0x56: {  	s20 =	sadd.s32 s23, s20;
	[sflag:s7] =	ssyncadd.s32 $0xFFFFC000  }
0x57: {  	[hbm4b:s20+s2] =	stream.linear.scatter [tilespmem:s6], [sflag:$0x2], $0x4000, $0x38;
	[tilespmem:$0x4080] =	vst v63  }
0x58: {  	s24 =	sor.u32 $0x380, s24;
	_ =	swait.ge [sflag:s3], $0x4000  }
0x59: {  	s25 =	sshrl.u32 s24, $0x3;
	[sflag:s3] =	ssyncset.done $0x0  }
0x5a: {  	s22 =	ssub.s32 $0x2, s22;
	s21 =	sadd.s32 s21, s25;
	[sflag:s3] =	ssyncadd.s32 $0xFFFFC000  }
0x5b: {  	[tilespmem:s2], [sflag:$0x2] =	stream.linear.gather [hbm4b:s21+s2], $0x80, $0x38;
	[tilespmem:$0x4080] =	vst v63  }
0x5c: {  	s29 =	sshrl.u32 s22, $0x1;
	_ =	swait.ge [sflag:s3], $0x80  }
0x5d: {  	s25 =	ssub.s32 s22, s29;
	[sflag:s3] =	ssyncset.done $0x0  }
0x5e: {  	s31 =	smax.u32 s25, $0x1;
	[sflag:s3] =	ssyncadd.s32 $0xFFFFFF80  }
0x5f: {  	[tilespmem:s6], [sflag:$0x1] =	stream.indirect.gather [hbm4b:s5+s6], $0x80, s2, s6, $0xb8;
	[tilespmem:$0x4080] =	vst v63  }
0x60: {  	p0 =	sne.s32 s31, $0x1;
	_ =	swait.ge [sflag:s7], $0x4000  }
.Ltmp0:
0x61: {  	s30 =	sshll.u32 s24, $0x4;
	[sflag:s7] =	ssyncset.done $0x0;
	(pc) =	sbr.rel @!p0 .LBB2_2-.Ltmp0, $4  }
0x62: {  	s22 =	sadd.s32 s23, s30;
	[sflag:s7] =	ssyncadd.s32 $0xFFFFC000  }
0x63: {  	[hbm4b:s22+s2] =	stream.linear.scatter [tilespmem:s6], [sflag:$0x2], $0x4000, $0x38;
	[tilespmem:$0x4080] =	vst v63  }
0x64: {  	_ =	swait.ge [sflag:s3], $0x4000  }
0x65: {  	s23 =	sadd.s32 $0xFFFFFFFF, s31;
	[sflag:s3] =	ssyncset.done $0x0  }
.LBB2_1:
0x66: {  	p0 =	sne.s32 s23, $0x1;
	s23 =	sadd.s32 $0xFFFFFFFF, s23;
	[sflag:s3] =	ssyncadd.s32 $0xFFFFC000  }
0x67: {  	[tilespmem:s2], [sflag:$0x2] =	stream.linear.gather [hbm4b:s4+s2], $0x80, $0x38;
	[tilespmem:$0x4080] =	vst v63  }
0x68: {  	_ =	swait.ge [sflag:s3], $0x80  }
0x69: {  	[sflag:s3] =	ssyncset.done $0x0  }
0x6a: {  	[sflag:s3] =	ssyncadd.s32 $0xFFFFFF80  }
0x6b: {  	[tilespmem:s6], [sflag:$0x1] =	stream.indirect.gather [hbm4b:s5+s6], $0x80, s2, s6, $0xb8;
	[tilespmem:$0x4080] =	vst v63  }
0x6c: {  	_ =	swait.ge [sflag:s7], $0x4000  }
0x6d: {  	[sflag:s7] =	ssyncset.done $0x0  }
0x6e: {  	[sflag:s7] =	ssyncadd.s32 $0xFFFFC000  }
0x6f: {  	[hbm4b:s8+s2] =	stream.linear.scatter [tilespmem:s6], [sflag:$0x2], $0x4000, $0x38;
	[tilespmem:$0x4080] =	vst v63  }
0x70: {  	_ =	swait.ge [sflag:s3], $0x4000  }
0x71: {  	[sflag:s3] =	ssyncset.done $0x0  }
0x72: {  	[sflag:s3] =	ssyncadd.s32 $0xFFFFC000  }
0x73: {  	[tilespmem:s2], [sflag:$0x2] =	stream.linear.gather [hbm4b:s9+s2], $0x80, $0x38;
	[tilespmem:$0x4080] =	vst v63  }
0x74: {  	_ =	swait.ge [sflag:s3], $0x80  }
0x75: {  	[sflag:s3] =	ssyncset.done $0x0  }
0x76: {  	[sflag:s3] =	ssyncadd.s32 $0xFFFFFF80  }
0x77: {  	[tilespmem:s6], [sflag:$0x1] =	stream.indirect.gather [hbm4b:s5+s6], $0x80, s2, s6, $0xb8;
	[tilespmem:$0x4080] =	vst v63  }
0x78: {  	_ =	swait.ge [sflag:s7], $0x4000  }
0x79: {  	[sflag:s7] =	ssyncset.done $0x0  }
0x7a: {  	[sflag:s7] =	ssyncadd.s32 $0xFFFFC000  }
0x7b: {  	[hbm4b:s10+s2] =	stream.linear.scatter [tilespmem:s6], [sflag:$0x2], $0x4000, $0x38;
	[tilespmem:$0x4080] =	vst v63  }
0x7c: {  	_ =	swait.ge [sflag:s3], $0x4000  }
0x7d: {  	[sflag:s3] =	ssyncset.done $0x0  }
0x7e: {  	[sflag:s3] =	ssyncadd.s32 $0xFFFFC000  }
0x7f: {  	[tilespmem:s2], [sflag:$0x2] =	stream.linear.gather [hbm4b:s11+s2], $0x80, $0x38;
	[tilespmem:$0x4080] =	vst v63  }
0x80: {  	_ =	swait.ge [sflag:s3], $0x80  }
0x81: {  	[sflag:s3] =	ssyncset.done $0x0  }
0x82: {  	[sflag:s3] =	ssyncadd.s32 $0xFFFFFF80  }
0x83: {  	[tilespmem:s6], [sflag:$0x1] =	stream.indirect.gather [hbm4b:s5+s6], $0x80, s2, s6, $0xb8;
	[tilespmem:$0x4080] =	vst v63  }
0x84: {  	_ =	swait.ge [sflag:s7], $0x4000  }
0x85: {  	[sflag:s7] =	ssyncset.done $0x0  }
0x86: {  	[sflag:s7] =	ssyncadd.s32 $0xFFFFC000  }
0x87: {  	[hbm4b:s12+s2] =	stream.linear.scatter [tilespmem:s6], [sflag:$0x2], $0x4000, $0x38;
	[tilespmem:$0x4080] =	vst v63  }
0x88: {  	_ =	swait.ge [sflag:s3], $0x4000  }
0x89: {  	[sflag:s3] =	ssyncset.done $0x0  }
0x8a: {  	[sflag:s3] =	ssyncadd.s32 $0xFFFFC000  }
0x8b: {  	[tilespmem:s2], [sflag:$0x2] =	stream.linear.gather [hbm4b:s13+s2], $0x80, $0x38;
	[tilespmem:$0x4080] =	vst v63  }
0x8c: {  	_ =	swait.ge [sflag:s3], $0x80  }
0x8d: {  	[sflag:s3] =	ssyncset.done $0x0  }
0x8e: {  	[sflag:s3] =	ssyncadd.s32 $0xFFFFFF80  }
0x8f: {  	[tilespmem:s6], [sflag:$0x1] =	stream.indirect.gather [hbm4b:s5+s6], $0x80, s2, s6, $0xb8;
	[tilespmem:$0x4080] =	vst v63  }
0x90: {  	_ =	swait.ge [sflag:s7], $0x4000  }
0x91: {  	[sflag:s7] =	ssyncset.done $0x0  }
0x92: {  	[sflag:s7] =	ssyncadd.s32 $0xFFFFC000  }
0x93: {  	[hbm4b:s14+s2] =	stream.linear.scatter [tilespmem:s6], [sflag:$0x2], $0x4000, $0x38;
	[tilespmem:$0x4080] =	vst v63  }
0x94: {  	_ =	swait.ge [sflag:s3], $0x4000  }
0x95: {  	[sflag:s3] =	ssyncset.done $0x0  }
0x96: {  	[sflag:s3] =	ssyncadd.s32 $0xFFFFC000  }
0x97: {  	[tilespmem:s2], [sflag:$0x2] =	stream.linear.gather [hbm4b:s15+s2], $0x80, $0x38;
	[tilespmem:$0x4080] =	vst v63  }
0x98: {  	_ =	swait.ge [sflag:s3], $0x80  }
0x99: {  	[sflag:s3] =	ssyncset.done $0x0  }
0x9a: {  	[sflag:s3] =	ssyncadd.s32 $0xFFFFFF80  }
0x9b: {  	[tilespmem:s6], [sflag:$0x1] =	stream.indirect.gather [hbm4b:s5+s6], $0x80, s2, s6, $0xb8;
	[tilespmem:$0x4080] =	vst v63  }
0x9c: {  	_ =	swait.ge [sflag:s7], $0x4000  }
0x9d: {  	[sflag:s7] =	ssyncset.done $0x0  }
0x9e: {  	[sflag:s7] =	ssyncadd.s32 $0xFFFFC000  }
0x9f: {  	[hbm4b:s16+s2] =	stream.linear.scatter [tilespmem:s6], [sflag:$0x2], $0x4000, $0x38;
	[tilespmem:$0x4080] =	vst v63  }
0xa0: {  	_ =	swait.ge [sflag:s3], $0x4000  }
0xa1: {  	[sflag:s3] =	ssyncset.done $0x0  }
0xa2: {  	[sflag:s3] =	ssyncadd.s32 $0xFFFFC000  }
0xa3: {  	[tilespmem:s2], [sflag:$0x2] =	stream.linear.gather [hbm4b:s17+s2], $0x80, $0x38;
	[tilespmem:$0x4080] =	vst v63  }
0xa4: {  	_ =	swait.ge [sflag:s3], $0x80  }
0xa5: {  	[sflag:s3] =	ssyncset.done $0x0  }
0xa6: {  	[sflag:s3] =	ssyncadd.s32 $0xFFFFFF80  }
0xa7: {  	[tilespmem:s6], [sflag:$0x1] =	stream.indirect.gather [hbm4b:s5+s6], $0x80, s2, s6, $0xb8;
	[tilespmem:$0x4080] =	vst v63  }
0xa8: {  	_ =	swait.ge [sflag:s7], $0x4000  }
0xa9: {  	[sflag:s7] =	ssyncset.done $0x0  }
0xaa: {  	[sflag:s7] =	ssyncadd.s32 $0xFFFFC000  }
0xab: {  	[hbm4b:s18+s2] =	stream.linear.scatter [tilespmem:s6], [sflag:$0x2], $0x4000, $0x38;
	[tilespmem:$0x4080] =	vst v63  }
0xac: {  	_ =	swait.ge [sflag:s3], $0x4000  }
0xad: {  	[sflag:s3] =	ssyncset.done $0x0  }
0xae: {  	[sflag:s3] =	ssyncadd.s32 $0xFFFFC000  }
0xaf: {  	[tilespmem:s2], [sflag:$0x2] =	stream.linear.gather [hbm4b:s19+s2], $0x80, $0x38;
	[tilespmem:$0x4080] =	vst v63  }
0xb0: {  	_ =	swait.ge [sflag:s3], $0x80  }
0xb1: {  	[sflag:s3] =	ssyncset.done $0x0  }
0xb2: {  	[sflag:s3] =	ssyncadd.s32 $0xFFFFFF80  }
0xb3: {  	[tilespmem:s6], [sflag:$0x1] =	stream.indirect.gather [hbm4b:s5+s6], $0x80, s2, s6, $0xb8;
	[tilespmem:$0x4080] =	vst v63  }
0xb4: {  	_ =	swait.ge [sflag:s7], $0x4000  }
0xb5: {  	[sflag:s7] =	ssyncset.done $0x0  }
0xb6: {  	[sflag:s7] =	ssyncadd.s32 $0xFFFFC000  }
0xb7: {  	[hbm4b:s20+s2] =	stream.linear.scatter [tilespmem:s6], [sflag:$0x2], $0x4000, $0x38;
	[tilespmem:$0x4080] =	vst v63  }
0xb8: {  	_ =	swait.ge [sflag:s3], $0x4000  }
0xb9: {  	[sflag:s3] =	ssyncset.done $0x0  }
0xba: {  	[sflag:s3] =	ssyncadd.s32 $0xFFFFC000  }
0xbb: {  	[tilespmem:s2], [sflag:$0x2] =	stream.linear.gather [hbm4b:s21+s2], $0x80, $0x38;
	[tilespmem:$0x4080] =	vst v63  }
0xbc: {  	_ =	swait.ge [sflag:s3], $0x80  }
0xbd: {  	[sflag:s3] =	ssyncset.done $0x0  }
0xbe: {  	[sflag:s3] =	ssyncadd.s32 $0xFFFFFF80  }
0xbf: {  	[tilespmem:s6], [sflag:$0x1] =	stream.indirect.gather [hbm4b:s5+s6], $0x80, s2, s6, $0xb8;
	[tilespmem:$0x4080] =	vst v63  }
0xc0: {  	_ =	swait.ge [sflag:s7], $0x4000  }
.Ltmp1:
0xc1: {  	[sflag:s7] =	ssyncset.done $0x0;
	(pc) =	sbr.rel @p0 .LBB2_1-.Ltmp1, $4  }
0xc2: {  	[sflag:s7] =	ssyncadd.s32 $0xFFFFC000  }
0xc3: {  	[hbm4b:s22+s2] =	stream.linear.scatter [tilespmem:s6], [sflag:$0x2], $0x4000, $0x38;
	[tilespmem:$0x4080] =	vst v63  }
0xc4: {  	_ =	swait.ge [sflag:s3], $0x4000  }
0xc5: {  	[sflag:s3] =	ssyncset.done $0x0  }
.LBB2_2:
0xc6: {  	[sflag:s3] =	ssyncadd.s32 $0xFFFFC000  }
0xc7: {  	_ =	sfence.sel $0x180000  }
0xc8: {  	[bflag:$0x0] =	sbarrier.arrive $0xFFFF  }
0xc9: {  	p0 =	sne.s32 s0, $0x0;
	_ =	strace $0x90000047  }
0xca: {  	s0 =	sadd.s32 @!p0 $0x100000, s1;
	[bflag:$0x2] =	sbarrier.arrive $0xFFFF  }
0xcb: {  	[sflag:s0] =	ssyncadd.tile.s32 @!p0 $0x1;
	_ =	shalt  }
.Lfunc_end2:
_tile_overlayer_lowered:
.L_overlay_start_2:
0xcc: {  	(tag) =	ssettag $0x2  }
0xcd: {  	s0 =	rddreg [dreg:$0x0];
	s2 =	stileid.u32  }
0xce: {  	s1 =	rddreg [dreg:$0x1];
	p0 =	sne.s32 s2, $0x0  }
0xcf: {  	s3 =	rddreg [dreg:$0x2];
	[bflag:$0x3] =	sbarrier.arrive $0xFFFF;
	s2 =	simm.s32 @!p0 $0x1C02  }
0xd0: {  	[timem:s3], [sflag:s2] =	dma.local @!p0 [hbm:s0], s1  }
0xd1: {  	s0 =	simm.s32 @!p0 $0x2  }
0xd2: {  	_ =	swait.ge @!p0 [sflag:s0], s1  }
0xd3: {  	s1 =	ssub.s32 @!p0 $0x0, s1;
	[sflag:s0] =	ssyncset.done @!p0 $0x0  }
0xd4: {  	[sflag:s0] =	ssyncadd.s32 @!p0 s1  }
0xd5: {  	[bflag:$0x3] =	sbarrier.arrive $0xFFFF  }
0xd6: {  	_ =	shalt  }

</sc_bundles>
